<compile_context>
chip_gen: v7x
topology: tpu7x:2x2x1
jax: 0.10.2.dev20260603
libtpu: 0.0.44.dev20260713+nightly
codegen_flags: <defaults>
</compile_context>

<pallas_src>
import functools

import jax
import jax.numpy as jnp
from jax import lax
from jax.experimental import pallas as pl
from jax.experimental.pallas import tpu as pltpu
from jax.experimental.pallas import tpu_sc as plsc

N = 20000
PRE_NMS_TOPK = 6000
AFT_NMS_TOPK = 300
RPN_NMS_THR = 0.7

L = 16
NPAD = 20224
NB1 = NPAD // L
NB1_PAD = 1280
NB2 = NB1_PAD // L
KEEP_PAD = 336
NEG_INF = float("-inf")


def _decode_body(im_ref, a_ref, r_ref, o_ref):
    a = a_ref[...]
    r = r_ref[...]
    x1, y1, x2, y2 = a[0:1], a[1:2], a[2:3], a[3:4]
    w = x2 - x1 + 1.0
    h = y2 - y1 + 1.0
    cx = x1 + 0.5 * w
    cy = y1 + 0.5 * h
    pcx = r[0:1] * w + cx
    pcy = r[1:2] * h + cy
    pw = jnp.exp(r[2:3]) * w
    ph = jnp.exp(r[3:4]) * h
    rois = jnp.concatenate(
        [pcx - 0.5 * pw, pcy - 0.5 * ph, pcx + 0.5 * pw, pcy + 0.5 * ph], axis=0)
    col = lax.broadcasted_iota(jnp.int32, rois.shape, 1)
    even = (col % 2) == 0
    lim0 = im_ref[0] - 1.0
    lim1 = im_ref[1] - 1.0
    o_ref[...] = jnp.where(even, jnp.clip(rois, 0.0, lim0),
                           jnp.clip(rois, 0.0, lim1))


def _decode_rois(im_info, anchors_t, reg_t):
    return pl.pallas_call(
        _decode_body,
        out_shape=jax.ShapeDtypeStruct((4, N), jnp.float32),
        in_specs=[
            pl.BlockSpec(memory_space=pltpu.SMEM),
            pl.BlockSpec(memory_space=pltpu.VMEM),
            pl.BlockSpec(memory_space=pltpu.VMEM),
        ],
        out_specs=pl.BlockSpec(memory_space=pltpu.VMEM),
    )(im_info, anchors_t, reg_t)


def _splat_f(x):
    return jnp.full((L,), x, dtype=jnp.float32)


def _splat_i(x):
    return jnp.full((L,), x, dtype=jnp.int32)


def _sc_body(score_hbm, rois_hbm, out_hbm, sc_v, rois_v, bm1_v, bm2_v,
             kept_v, kx2p_v, ky2p_v, kathr_v, sem):
    iota = lax.iota(jnp.int32, L)
    big = jnp.int32(0x7FFFFFF)
    thr = jnp.float32(RPN_NMS_THR)
    thr1 = jnp.float32(1.0 + RPN_NMS_THR)

    @pl.when((lax.axis_index("c") == 0) & (lax.axis_index("s") == 0))
    def _tile0():
        rois_cp = pltpu.async_copy(rois_hbm, rois_v, sem)
        pltpu.sync_copy(score_hbm, sc_v)

        def bm1_chunk(k, _):
            m = _splat_f(NEG_INF)

            def inner(j, m):
                v = plsc.load_gather(sc_v, [(k * 256 + iota * L) + j])
                return jnp.maximum(m, v)

            m = lax.fori_loop(0, L, inner, m, unroll=4)
            plsc.store_scatter(bm1_v, [k * L + iota], m)
            return 0

        lax.fori_loop(0, NB1 // L, bm1_chunk, 0)
        bm1_v[pl.ds(NB1, L)] = _splat_f(NEG_INF)

        def bm2_one(t, _):
            v = plsc.load_gather(bm1_v, [t * L + iota])
            plsc.store_scatter(bm2_v, [_splat_i(t)], _splat_f(jnp.max(v)))
            return 0

        lax.fori_loop(0, NB2, bm2_one, 0)

        def kept_init(i, _):
            cols = i * L + iota
            plsc.store_scatter(kept_v, [_splat_i(0), cols], _splat_f(3e9))
            plsc.store_scatter(kept_v, [_splat_i(1), cols], _splat_f(3e9))
            plsc.store_scatter(kept_v, [_splat_i(2), cols], _splat_f(-3e9))
            plsc.store_scatter(kept_v, [_splat_i(3), cols], _splat_f(-3e9))
            plsc.store_scatter(kx2p_v, [cols], _splat_f(-3e9))
            plsc.store_scatter(ky2p_v, [cols], _splat_f(-3e9))
            plsc.store_scatter(kathr_v, [cols], _splat_f(1.0))
            return 0

        lax.fori_loop(0, KEEP_PAD // L, kept_init, 0)

        rois_cp.wait()

        def first_min_idx(vals, maxv, idxs):
            return jnp.min(jnp.where(vals == maxv, idxs, big))

        def draw():
            vs = [(bm2_v[pl.ds(t * L, L)], t * L + iota)
                  for t in range(NB2 // L)]
            while len(vs) > 1:
                nxt = []
                for i in range(0, len(vs) - 1, 2):
                    (va, ka), (vb, kb) = vs[i], vs[i + 1]
                    later = vb > va
                    nxt.append((jnp.where(later, vb, va),
                                jnp.where(later, kb, ka)))
                if len(vs) % 2:
                    nxt.append(vs[-1])
                vs = nxt
            bestv, bestk = vs[0]
            m2 = jnp.max(bestv)
            k_star = first_min_idx(bestv, m2, bestk)
            v1 = plsc.load_gather(bm1_v, [k_star * L + iota])
            l1 = plsc.all_reduce_ffs(v1 == jnp.max(v1))
            b_star = k_star * L + l1
            v0 = plsc.load_gather(sc_v, [b_star * L + iota])
            l0 = plsc.all_reduce_ffs(v0 == jnp.max(v0))
            widx = b_star * L + l0

            plsc.store_scatter(sc_v, [_splat_i(widx)], _splat_f(NEG_INF))
            v0n = jnp.where(iota == l0, NEG_INF, v0)
            bm1_new = jnp.max(v0n)
            plsc.store_scatter(bm1_v, [_splat_i(b_star)], _splat_f(bm1_new))
            v1n = jnp.where(iota == l1, bm1_new, v1)
            plsc.store_scatter(bm2_v, [_splat_i(k_star)], _splat_f(jnp.max(v1n)))

            wsplat = _splat_i(widx)
            x1 = plsc.load_gather(rois_v, [_splat_i(0), wsplat])
            y1 = plsc.load_gather(rois_v, [_splat_i(1), wsplat])
            x2 = plsc.load_gather(rois_v, [_splat_i(2), wsplat])
            y2 = plsc.load_gather(rois_v, [_splat_i(3), wsplat])
            x2p = x2 + 1.0
            y2p = y2 + 1.0
            thr_area = thr * ((x2p - x1) * (y2p - y1))
            return (x1, y1, x2, y2, x2p, y2p, thr_area)

        def append(cand, slot):
            x1, y1, x2, y2, x2p, y2p, thr_area = cand
            csplat = _splat_i(slot)
            plsc.store_scatter(kept_v, [_splat_i(0), csplat], x1)
            plsc.store_scatter(kept_v, [_splat_i(1), csplat], y1)
            plsc.store_scatter(kept_v, [_splat_i(2), csplat], x2)
            plsc.store_scatter(kept_v, [_splat_i(3), csplat], y2)
            plsc.store_scatter(kx2p_v, [csplat], x2p)
            plsc.store_scatter(ky2p_v, [csplat], y2p)
            plsc.store_scatter(kathr_v, [csplat], thr_area)

        def cond(carry):
            count, picked = carry
            return (count < AFT_NMS_TOPK) & (picked < PRE_NMS_TOPK)

        def body(carry):
            count, picked = carry
            cands = [draw() for _ in range(4)]

            def iou_chunk(cols, accs):
                kx1 = plsc.load_gather(kept_v, [_splat_i(0), cols])
                ky1 = plsc.load_gather(kept_v, [_splat_i(1), cols])
                kx2p = plsc.load_gather(kx2p_v, [cols])
                ky2p = plsc.load_gather(ky2p_v, [cols])
                kathr = plsc.load_gather(kathr_v, [cols])
                out = []
                for (x1, y1, _, _, x2p, y2p, ta), acc in zip(cands, accs):
                    iw = jnp.maximum(0.0, jnp.minimum(x2p, kx2p) - jnp.maximum(x1, kx1))
                    ih = jnp.maximum(0.0, jnp.minimum(y2p, ky2p) - jnp.maximum(y1, ky1))
                    out.append(acc | (thr1 * (iw * ih) > ta + kathr))
                return tuple(out)

            def iou_one(j, accs):
                return iou_chunk(j * L + iota, accs)

            nk = (count + (L - 1)) // L
            zero = jnp.zeros((L,), dtype=jnp.bool_)
            supp = lax.fori_loop(0, nk, iou_one, (zero,) * 4)

            def pair_ov(ci, cj):
                x1i, y1i, _, _, x2pi, y2pi, tai = ci
                x1j, y1j, _, _, x2pj, y2pj, taj = cj
                iw = jnp.maximum(0.0, jnp.minimum(x2pi, x2pj) - jnp.maximum(x1i, x1j))
                ih = jnp.maximum(0.0, jnp.minimum(y2pi, y2pj) - jnp.maximum(y1i, y1j))
                return jnp.any(thr1 * (iw * ih) > tai + taj)

            keeps = []
            for i in range(4):
                k = jnp.logical_not(jnp.any(supp[i]))
                for j in range(i):
                    k = k & ~(keeps[j] & pair_ov(cands[j], cands[i]))
                keeps.append(k)

            slot = count
            for i in range(4):
                ki = keeps[i] & (slot < AFT_NMS_TOPK)
                s = slot

                @pl.when(ki)
                def _(ci=cands[i], s=s):
                    append(ci, s)

                slot = slot + ki.astype(jnp.int32)

            return (slot, picked + 4)

        count, _ = lax.while_loop(cond, body, (jnp.int32(0), jnp.int32(0)))

        k0 = [plsc.load_gather(kept_v, [_splat_i(r), _splat_i(0)])
              for r in range(4)]

        def pad_chunk(i, _):
            cols = i * L + iota
            live = cols < count
            for r in range(4):
                cur = plsc.load_gather(kept_v, [_splat_i(r), cols])
                plsc.store_scatter(kept_v, [_splat_i(r), cols],
                                   jnp.where(live, cur, k0[r]))
            return 0

        lax.fori_loop(0, KEEP_PAD // L, pad_chunk, 0)

        pltpu.sync_copy(kept_v, out_hbm)


_sc_nms = functools.partial(
    pl.kernel,
    out_type=jax.ShapeDtypeStruct((4, KEEP_PAD), jnp.float32),
    mesh=plsc.VectorSubcoreMesh(core_axis_name="c", subcore_axis_name="s"),
    compiler_params=pltpu.CompilerParams(needs_layout_passes=False),
    scratch_types=[
        pltpu.VMEM((NPAD,), jnp.float32),
        pltpu.VMEM((4, N), jnp.float32),
        pltpu.VMEM((NB1_PAD,), jnp.float32),
        pltpu.VMEM((NB2,), jnp.float32),
        pltpu.VMEM((4, KEEP_PAD), jnp.float32),
        pltpu.VMEM((KEEP_PAD,), jnp.float32),
        pltpu.VMEM((KEEP_PAD,), jnp.float32),
        pltpu.VMEM((KEEP_PAD,), jnp.float32),
        pltpu.SemaphoreType.DMA,
    ],
)(_sc_body)


def kernel(score, reg_param, anchors, im_info):
    score_fg = jnp.concatenate(
        [score[0, :, 0], jnp.full((NPAD - N,), NEG_INF, dtype=jnp.float32)])
    rois_t = _decode_rois(im_info.astype(jnp.float32), anchors.T, reg_param.T)
    out = _sc_nms(score_fg, rois_t)
    return out[:, :AFT_NMS_TOPK].T

# --- scband reference (transcript-rebuilt; emitter-appended) ---
"""Pipeline reference for scband-proposal-layer-60404420051297 (READ-ONLY COPY).

The authoritative reference and input builder live on the scoring server;
editing this copy changes nothing except your own understanding.
"""

import jax, jax.numpy as jnp
import numpy as np

N = 20000
PRE_NMS_TOPK = 6000
AFT_NMS_TOPK = 300
RPN_NMS_THR = 0.7

def apply_reg(anchors, reg_param):
    w = anchors[:, 2] - anchors[:, 0] + 1.0
    h = anchors[:, 3] - anchors[:, 1] + 1.0
    cx = anchors[:, 0] + 0.5 * w
    cy = anchors[:, 1] + 0.5 * h
    dx, dy, dw, dh = reg_param[:, 0], reg_param[:, 1], reg_param[:, 2], reg_param[:, 3]
    pcx = dx * w + cx
    pcy = dy * h + cy
    pw = jnp.exp(dw) * w
    ph = jnp.exp(dh) * h
    return jnp.stack([pcx - 0.5 * pw, pcy - 0.5 * ph, pcx + 0.5 * pw, pcy + 0.5 * ph], axis=1)

def clamp_rois(rois, im_info):
    # faithful to torch: rois[0::2] (even rows) clamped to [0, im_info[0]-1],
    # rois[1::2] (odd rows) clamped to [0, im_info[1]-1]
    even = (jnp.arange(rois.shape[0]) % 2 == 0)[:, None]
    c0 = jnp.clip(rois, 0.0, im_info[0] - 1.0)
    c1 = jnp.clip(rois, 0.0, im_info[1] - 1.0)
    return jnp.where(even, c0, c1)

def nms(boxes, scores, thr):
    # boxes are pre-sorted by descending score; sequential greedy NMS
    x1, y1, x2, y2 = boxes[:, 0], boxes[:, 1], boxes[:, 2], boxes[:, 3]
    areas = (x2 - x1 + 1.0) * (y2 - y1 + 1.0)
    n = boxes.shape[0]
    idx = jnp.arange(n)
    def body(i, suppressed):
        xx1 = jnp.maximum(x1[i], x1)
        yy1 = jnp.maximum(y1[i], y1)
        xx2 = jnp.minimum(x2[i], x2)
        yy2 = jnp.minimum(y2[i], y2)
        w = jnp.maximum(0.0, xx2 - xx1 + 1.0)
        h = jnp.maximum(0.0, yy2 - yy1 + 1.0)
        inter = w * h
        iou = inter / (areas[i] + areas - inter)
        mask = (iou > thr) & (idx > i) & (~suppressed[i])
        return suppressed | mask
    suppressed = jax.lax.fori_loop(0, n, body, jnp.zeros(n, dtype=bool))
    return jnp.nonzero(~suppressed, size=AFT_NMS_TOPK, fill_value=0)[0]

def setup_inputs(seed: int = 0):
    key = jax.random.key(seed)
    k1, k2, k3 = jax.random.split(key, 3)
    score = jax.random.normal(k1, (1, N, 2), dtype=jnp.float32)
    reg_param = jax.random.normal(k2, (N, 4), dtype=jnp.float32) * 0.2
    b = jax.random.uniform(k3, (N, 4), dtype=jnp.float32)
    x1 = b[:, 0] * 896.0
    y1 = b[:, 1] * 896.0
    x2 = x1 + 8.0 + b[:, 2] * 120.0
    y2 = y1 + 8.0 + b[:, 3] * 120.0
    anchors = jnp.stack([x1, y1, x2, y2], axis=1)
    im_info = jnp.array([1024.0, 1024.0], dtype=jnp.float32)
    return {"score": score, "reg_param": reg_param, "anchors": anchors, "im_info": im_info}

def reference(score, reg_param, anchors, im_info):
    rois = clamp_rois(apply_reg(anchors, reg_param), im_info)
    score_foreground = score[:, :, 0].reshape(-1)
    order = jnp.argsort(-score_foreground)
    if PRE_NMS_TOPK > 0 and PRE_NMS_TOPK < score_foreground.shape[0]:
        order = order[:PRE_NMS_TOPK]
    rois_s = rois[order, :]
    sf_s = score_foreground[order]
    nms_keep_index = nms(rois_s, sf_s, RPN_NMS_THR)
    rois_k = rois_s[nms_keep_index, :]
    if AFT_NMS_TOPK > 0 and AFT_NMS_TOPK < nms_keep_index.shape[0]:
        rois_k = rois_k[:AFT_NMS_TOPK, :]
    return rois_k

if __name__ == "__main__":
    import jax
    _d = setup_inputs()
    print(jax.jit(kernel)(*tuple(_d.values())))

</pallas_src>

<mosaic_0001>
#map = affine_map<(d0, d1) -> (0)>
#map1 = affine_map<(d0, d1) -> (0, 0)>
module attributes {stable_mosaic.version = 14 : i64} {
  func.func @_sc_body(%arg0: i32, %arg1: i32, %arg2: memref<20224xf32, #tpu.memory_space<hbm>>, %arg3: memref<4x20000xf32, #tpu.memory_space<hbm>>, %arg4: memref<4x336xf32, #tpu.memory_space<hbm>>, %arg5: memref<20224xf32, #tpu.memory_space<vmem>>, %arg6: memref<4x20000xf32, #tpu.memory_space<vmem>>, %arg7: memref<1280xf32, #tpu.memory_space<vmem>>, %arg8: memref<80xf32, #tpu.memory_space<vmem>>, %arg9: memref<4x336xf32, #tpu.memory_space<vmem>>, %arg10: memref<336xf32, #tpu.memory_space<vmem>>, %arg11: memref<336xf32, #tpu.memory_space<vmem>>, %arg12: memref<336xf32, #tpu.memory_space<vmem>>, %arg13: memref<!tpu.dma_semaphore, #tpu.memory_space<semaphore_mem>>) attributes {dimension_semantics = [#tpu.dimension_semantics<core_parallel>, #tpu.dimension_semantics<subcore_parallel>], iteration_bounds = array<i64: 2, 16>, scalar_prefetch = 0 : i64, scratch_operands = 9 : i64, tpu.core_type = #tpu.core_type<sc_vector_subcore>, window_params = [{transform_indices = #map}, {transform_indices = #map1}, {transform_indices = #map1}]} {
    %iota3A = tpu.iota {dimensions = array<i32: 0>} : vector<16xi32>
    %eq3A = arith.constant 0 : i32
    %eq3A_0 = arith.cmpi eq, %arg0, %eq3A : i32
    %eq3A_1 = arith.constant 0 : i32
    %eq3A_2 = arith.cmpi eq, %arg1, %eq3A_1 : i32
    %and3A = arith.andi %eq3A_0, %eq3A_2 : i1
    %convert_element_type3A = arith.extui %and3A : i1 to i32
    %cond3A = arith.constant 134217727 : i32
    %cond3A_3 = arith.constant 0.699999988 : f32
    %cond3A_4 = arith.constant 1.700000e+00 : f32
    %cond3A_5 = arith.constant 0 : i32
    %cond3A_6 = arith.cmpi ne, %convert_element_type3A, %cond3A_5 : i32
    scf.if %cond3A_6 {
      tpu.enqueue_dma source(%arg3 : memref<4x20000xf32, #tpu.memory_space<hbm>>) target(%arg6 : memref<4x20000xf32, #tpu.memory_space<vmem>>) target_semaphore(%arg13 : memref<!tpu.dma_semaphore, #tpu.memory_space<semaphore_mem>>)
      "tpu.region"() ({
        %run_scoped3A = tpu.sem_alloc : memref<!tpu.dma_semaphore, #tpu.memory_space<semaphore_mem>>
        tpu.enqueue_dma source(%arg2 : memref<20224xf32, #tpu.memory_space<hbm>>) target(%arg5 : memref<20224xf32, #tpu.memory_space<vmem>>) target_semaphore(%run_scoped3A : memref<!tpu.dma_semaphore, #tpu.memory_space<semaphore_mem>>)
        tpu.wait_dma2 semaphore(%run_scoped3A : memref<!tpu.dma_semaphore, #tpu.memory_space<semaphore_mem>>) src(%arg2 : memref<20224xf32, #tpu.memory_space<hbm>>) dst(%arg5 : memref<20224xf32, #tpu.memory_space<vmem>>)
        tpu.yield
      }) : () -> ()
      %scan3A = arith.constant 0 : i32
      %scan3A_7 = arith.constant 0 : i32
      %scan3A_8 = arith.constant 79 : i32
      %scan3A_9 = arith.addi %scan3A_7, %scan3A_8 : i32
      %scan3A_10 = arith.constant 1 : i32
      %scan3A_11 = scf.for %scan3A_57 = %scan3A_7 to %scan3A_9 step %scan3A_10 iter_args(%scan3A_58 = %scan3A) -> (i32)  : i32 {
        %broadcast_in_dim3A_59 = arith.constant 0xFF800000 : f32
        %broadcast_in_dim3A_60 = vector.broadcast %broadcast_in_dim3A_59 : f32 to vector<16xf32>
        %scan3A_61 = arith.constant 0 : i32
        %scan3A_62 = arith.constant 16 : i32
        %scan3A_63 = arith.addi %scan3A_61, %scan3A_62 : i32
        %scan3A_64 = arith.constant 4 : i32
        %scan3A_65 = scf.for %scan3A_70 = %scan3A_61 to %scan3A_63 step %scan3A_64 iter_args(%scan3A_71 = %broadcast_in_dim3A_60) -> (vector<16xf32>)  : i32 {
          %mul3A_72 = arith.constant 256 : i32
          %mul3A_73 = arith.muli %scan3A_57, %mul3A_72 : i32
          %mul3A_74 = arith.constant 16 : i32
          %mul3A_75 = vector.broadcast %mul3A_74 : i32 to vector<16xi32>
          %mul3A_76 = arith.muli %iota3A, %mul3A_75 : vector<16xi32>
          %add3A_77 = vector.broadcast %mul3A_73 : i32 to vector<16xi32>
          %add3A_78 = arith.addi %add3A_77, %mul3A_76 : vector<16xi32>
          %add3A_79 = vector.broadcast %scan3A_70 : i32 to vector<16xi32>
          %add3A_80 = arith.addi %add3A_78, %add3A_79 : vector<16xi32>
          %gather3A_81 = tpu.vector_load_idx %arg5[%add3A_80] : memref<20224xf32, #tpu.memory_space<vmem>>[vector<16xi32>], vector<16xf32>,
          %max3A = arith.maximumf %scan3A_71, %gather3A_81 : vector<16xf32>
          %scan3A_82 = arith.constant 1 : i32
          %scan3A_83 = arith.addi %scan3A_70, %scan3A_82 : i32
          %mul3A_84 = arith.constant 256 : i32
          %mul3A_85 = arith.muli %scan3A_57, %mul3A_84 : i32
          %mul3A_86 = arith.constant 16 : i32
          %mul3A_87 = vector.broadcast %mul3A_86 : i32 to vector<16xi32>
          %mul3A_88 = arith.muli %iota3A, %mul3A_87 : vector<16xi32>
          %add3A_89 = vector.broadcast %mul3A_85 : i32 to vector<16xi32>
          %add3A_90 = arith.addi %add3A_89, %mul3A_88 : vector<16xi32>
          %add3A_91 = vector.broadcast %scan3A_83 : i32 to vector<16xi32>
          %add3A_92 = arith.addi %add3A_90, %add3A_91 : vector<16xi32>
          %gather3A_93 = tpu.vector_load_idx %arg5[%add3A_92] : memref<20224xf32, #tpu.memory_space<vmem>>[vector<16xi32>], vector<16xf32>,
          %max3A_94 = arith.maximumf %max3A, %gather3A_93 : vector<16xf32>
          %scan3A_95 = arith.constant 2 : i32
          %scan3A_96 = arith.addi %scan3A_70, %scan3A_95 : i32
          %mul3A_97 = arith.constant 256 : i32
          %mul3A_98 = arith.muli %scan3A_57, %mul3A_97 : i32
          %mul3A_99 = arith.constant 16 : i32
          %mul3A_100 = vector.broadcast %mul3A_99 : i32 to vector<16xi32>
          %mul3A_101 = arith.muli %iota3A, %mul3A_100 : vector<16xi32>
          %add3A_102 = vector.broadcast %mul3A_98 : i32 to vector<16xi32>
          %add3A_103 = arith.addi %add3A_102, %mul3A_101 : vector<16xi32>
          %add3A_104 = vector.broadcast %scan3A_96 : i32 to vector<16xi32>
          %add3A_105 = arith.addi %add3A_103, %add3A_104 : vector<16xi32>
          %gather3A_106 = tpu.vector_load_idx %arg5[%add3A_105] : memref<20224xf32, #tpu.memory_space<vmem>>[vector<16xi32>], vector<16xf32>,
          %max3A_107 = arith.maximumf %max3A_94, %gather3A_106 : vector<16xf32>
          %scan3A_108 = arith.constant 3 : i32
          %scan3A_109 = arith.addi %scan3A_70, %scan3A_108 : i32
          %mul3A_110 = arith.constant 256 : i32
          %mul3A_111 = arith.muli %scan3A_57, %mul3A_110 : i32
          %mul3A_112 = arith.constant 16 : i32
          %mul3A_113 = vector.broadcast %mul3A_112 : i32 to vector<16xi32>
          %mul3A_114 = arith.muli %iota3A, %mul3A_113 : vector<16xi32>
          %add3A_115 = vector.broadcast %mul3A_111 : i32 to vector<16xi32>
          %add3A_116 = arith.addi %add3A_115, %mul3A_114 : vector<16xi32>
          %add3A_117 = vector.broadcast %scan3A_109 : i32 to vector<16xi32>
          %add3A_118 = arith.addi %add3A_116, %add3A_117 : vector<16xi32>
          %gather3A_119 = tpu.vector_load_idx %arg5[%add3A_118] : memref<20224xf32, #tpu.memory_space<vmem>>[vector<16xi32>], vector<16xf32>,
          %max3A_120 = arith.maximumf %max3A_107, %gather3A_119 : vector<16xf32>
          scf.yield %max3A_120 : vector<16xf32>
        }
        %scan3A_66 = arith.constant 16 : i32
        %mul3A = arith.constant 16 : i32
        %mul3A_67 = arith.muli %scan3A_57, %mul3A : i32
        %add3A = vector.broadcast %mul3A_67 : i32 to vector<16xi32>
        %add3A_68 = arith.addi %add3A, %iota3A : vector<16xi32>
        tpu.vector_store_idx %arg7[%add3A_68], %scan3A_65 : memref<1280xf32, #tpu.memory_space<vmem>>[vector<16xi32>], vector<16xf32>,
        %scan3A_69 = arith.constant 0 : i32
        scf.yield %scan3A_69 : i32
      }
      %scan3A_12 = arith.constant 79 : i32
      %broadcast_in_dim3A = arith.constant 0xFF800000 : f32
      %broadcast_in_dim3A_13 = vector.broadcast %broadcast_in_dim3A : f32 to vector<16xf32>
      %swap3A = arith.constant 1264 : index
      %swap3A_14 = tpu.vector_load %arg7[%swap3A] {strides = array<i32>} : memref<1280xf32, #tpu.memory_space<vmem>>, vector<16xf32>,
      tpu.vector_store %arg7[%swap3A], %broadcast_in_dim3A_13 {strides = array<i32>} : memref<1280xf32, #tpu.memory_space<vmem>>, vector<16xf32>,
      %scan3A_15 = arith.constant 0 : i32
      %scan3A_16 = arith.constant 0 : i32
      %scan3A_17 = arith.constant 80 : i32
      %scan3A_18 = arith.addi %scan3A_16, %scan3A_17 : i32
      %scan3A_19 = arith.constant 1 : i32
      %scan3A_20 = scf.for %scan3A_57 = %scan3A_16 to %scan3A_18 step %scan3A_19 iter_args(%scan3A_58 = %scan3A_15) -> (i32)  : i32 {
        %mul3A = arith.constant 16 : i32
        %mul3A_59 = arith.muli %scan3A_57, %mul3A : i32
        %add3A = vector.broadcast %mul3A_59 : i32 to vector<16xi32>
        %add3A_60 = arith.addi %add3A, %iota3A : vector<16xi32>
        %gather3A_61 = tpu.vector_load_idx %arg7[%add3A_60] : memref<1280xf32, #tpu.memory_space<vmem>>[vector<16xi32>], vector<16xf32>,
        %broadcast_in_dim3A_62 = vector.broadcast %scan3A_57 : i32 to vector<16xi32>
        %reduce_max3A = arith.constant true
        %reduce_max3A_63 = vector.broadcast %reduce_max3A : i1 to vector<16xi1>
        %reduce_max3A_64 = tpu.scan <max>, %gather3A_61 masked %reduce_max3A_63 : vector<16xf32>, vector<16xi1> -> vector<16xf32>
        %reduce_max3A_65 = vector.extract %reduce_max3A_64[15] : f32 from vector<16xf32>
        %broadcast_in_dim3A_66 = vector.broadcast %reduce_max3A_65 : f32 to vector<16xf32>
        tpu.vector_store_idx %arg8[%broadcast_in_dim3A_62], %broadcast_in_dim3A_66 : memref<80xf32, #tpu.memory_space<vmem>>[vector<16xi32>], vector<16xf32>,
        %scan3A_67 = arith.constant 0 : i32
        scf.yield %scan3A_67 : i32
      }
      %scan3A_21 = arith.constant 80 : i32
      %scan3A_22 = arith.constant 0 : i32
      %scan3A_23 = arith.constant 0 : i32
      %scan3A_24 = arith.constant 21 : i32
      %scan3A_25 = arith.addi %scan3A_23, %scan3A_24 : i32
      %scan3A_26 = arith.constant 1 : i32
      %scan3A_27 = scf.for %scan3A_57 = %scan3A_23 to %scan3A_25 step %scan3A_26 iter_args(%scan3A_58 = %scan3A_22) -> (i32)  : i32 {
        %mul3A = arith.constant 16 : i32
        %mul3A_59 = arith.muli %scan3A_57, %mul3A : i32
        %add3A = vector.broadcast %mul3A_59 : i32 to vector<16xi32>
        %add3A_60 = arith.addi %add3A, %iota3A : vector<16xi32>
        %broadcast_in_dim3A_61 = arith.constant 0 : i32
        %broadcast_in_dim3A_62 = vector.broadcast %broadcast_in_dim3A_61 : i32 to vector<16xi32>
        %broadcast_in_dim3A_63 = arith.constant 3.000000e+09 : f32
        %broadcast_in_dim3A_64 = vector.broadcast %broadcast_in_dim3A_63 : f32 to vector<16xf32>
        tpu.vector_store_idx %arg9[%broadcast_in_dim3A_62, %add3A_60], %broadcast_in_dim3A_64 : memref<4x336xf32, #tpu.memory_space<vmem>>[vector<16xi32>, vector<16xi32>], vector<16xf32>,
        %broadcast_in_dim3A_65 = arith.constant 1 : i32
        %broadcast_in_dim3A_66 = vector.broadcast %broadcast_in_dim3A_65 : i32 to vector<16xi32>
        %broadcast_in_dim3A_67 = arith.constant 3.000000e+09 : f32
        %broadcast_in_dim3A_68 = vector.broadcast %broadcast_in_dim3A_67 : f32 to vector<16xf32>
        tpu.vector_store_idx %arg9[%broadcast_in_dim3A_66, %add3A_60], %broadcast_in_dim3A_68 : memref<4x336xf32, #tpu.memory_space<vmem>>[vector<16xi32>, vector<16xi32>], vector<16xf32>,
        %broadcast_in_dim3A_69 = arith.constant 2 : i32
        %broadcast_in_dim3A_70 = vector.broadcast %broadcast_in_dim3A_69 : i32 to vector<16xi32>
        %broadcast_in_dim3A_71 = arith.constant -3.000000e+09 : f32
        %broadcast_in_dim3A_72 = vector.broadcast %broadcast_in_dim3A_71 : f32 to vector<16xf32>
        tpu.vector_store_idx %arg9[%broadcast_in_dim3A_70, %add3A_60], %broadcast_in_dim3A_72 : memref<4x336xf32, #tpu.memory_space<vmem>>[vector<16xi32>, vector<16xi32>], vector<16xf32>,
        %broadcast_in_dim3A_73 = arith.constant 3 : i32
        %broadcast_in_dim3A_74 = vector.broadcast %broadcast_in_dim3A_73 : i32 to vector<16xi32>
        %broadcast_in_dim3A_75 = arith.constant -3.000000e+09 : f32
        %broadcast_in_dim3A_76 = vector.broadcast %broadcast_in_dim3A_75 : f32 to vector<16xf32>
        tpu.vector_store_idx %arg9[%broadcast_in_dim3A_74, %add3A_60], %broadcast_in_dim3A_76 : memref<4x336xf32, #tpu.memory_space<vmem>>[vector<16xi32>, vector<16xi32>], vector<16xf32>,
        %broadcast_in_dim3A_77 = arith.constant -3.000000e+09 : f32
        %broadcast_in_dim3A_78 = vector.broadcast %broadcast_in_dim3A_77 : f32 to vector<16xf32>
        tpu.vector_store_idx %arg10[%add3A_60], %broadcast_in_dim3A_78 : memref<336xf32, #tpu.memory_space<vmem>>[vector<16xi32>], vector<16xf32>,
        %broadcast_in_dim3A_79 = arith.constant -3.000000e+09 : f32
        %broadcast_in_dim3A_80 = vector.broadcast %broadcast_in_dim3A_79 : f32 to vector<16xf32>
        tpu.vector_store_idx %arg11[%add3A_60], %broadcast_in_dim3A_80 : memref<336xf32, #tpu.memory_space<vmem>>[vector<16xi32>], vector<16xf32>,
        %broadcast_in_dim3A_81 = arith.constant 1.000000e+00 : f32
        %broadcast_in_dim3A_82 = vector.broadcast %broadcast_in_dim3A_81 : f32 to vector<16xf32>
        tpu.vector_store_idx %arg12[%add3A_60], %broadcast_in_dim3A_82 : memref<336xf32, #tpu.memory_space<vmem>>[vector<16xi32>], vector<16xf32>,
        %scan3A_83 = arith.constant 0 : i32
        scf.yield %scan3A_83 : i32
      }
      %scan3A_28 = arith.constant 21 : i32
      tpu.wait_dma2 semaphore(%arg13 : memref<!tpu.dma_semaphore, #tpu.memory_space<semaphore_mem>>) src(%arg3 : memref<4x20000xf32, #tpu.memory_space<hbm>>) dst(%arg6 : memref<4x20000xf32, #tpu.memory_space<vmem>>)
      %while3A = arith.constant 0 : i32
      %while3A_29 = arith.constant 0 : i32
      %while3A_30:2 = scf.while (%while3A_57 = %while3A, %while3A_58 = %while3A_29) : (i32, i32) -> (i32, i32) {
        %lt3A = arith.constant 300 : i32
        %lt3A_59 = arith.cmpi slt, %while3A_57, %lt3A : i32
        %lt3A_60 = arith.constant 6000 : i32
        %lt3A_61 = arith.cmpi slt, %while3A_58, %lt3A_60 : i32
        %and3A_62 = arith.andi %lt3A_59, %lt3A_61 : i1
        scf.condition(%and3A_62) %while3A_57, %while3A_58 : i32, i32
      } do {
      ^bb0(%while3A_57: i32, %while3A_58: i32):
        %get3A = arith.constant 0 : index
        %get3A_59 = tpu.vector_load %arg8[%get3A] {strides = array<i32>} : memref<80xf32, #tpu.memory_space<vmem>>, vector<16xf32>,
        %add3A = arith.constant 0 : i32
        %add3A_60 = vector.broadcast %add3A : i32 to vector<16xi32>
        %add3A_61 = arith.addi %add3A_60, %iota3A : vector<16xi32>
        %get3A_62 = arith.constant 16 : index
        %get3A_63 = tpu.vector_load %arg8[%get3A_62] {strides = array<i32>} : memref<80xf32, #tpu.memory_space<vmem>>, vector<16xf32>,
        %add3A_64 = arith.constant 16 : i32
        %add3A_65 = vector.broadcast %add3A_64 : i32 to vector<16xi32>
        %add3A_66 = arith.addi %add3A_65, %iota3A : vector<16xi32>
        %get3A_67 = arith.constant 32 : index
        %get3A_68 = tpu.vector_load %arg8[%get3A_67] {strides = array<i32>} : memref<80xf32, #tpu.memory_space<vmem>>, vector<16xf32>,
        %add3A_69 = arith.constant 32 : i32
        %add3A_70 = vector.broadcast %add3A_69 : i32 to vector<16xi32>
        %add3A_71 = arith.addi %add3A_70, %iota3A : vector<16xi32>
        %get3A_72 = arith.constant 48 : index
        %get3A_73 = tpu.vector_load %arg8[%get3A_72] {strides = array<i32>} : memref<80xf32, #tpu.memory_space<vmem>>, vector<16xf32>,
        %add3A_74 = arith.constant 48 : i32
        %add3A_75 = vector.broadcast %add3A_74 : i32 to vector<16xi32>
        %add3A_76 = arith.addi %add3A_75, %iota3A : vector<16xi32>
        %get3A_77 = arith.constant 64 : index
        %get3A_78 = tpu.vector_load %arg8[%get3A_77] {strides = array<i32>} : memref<80xf32, #tpu.memory_space<vmem>>, vector<16xf32>,
        %add3A_79 = arith.constant 64 : i32
        %add3A_80 = vector.broadcast %add3A_79 : i32 to vector<16xi32>
        %add3A_81 = arith.addi %add3A_80, %iota3A : vector<16xi32>
        %gt3A = arith.cmpf ogt, %get3A_63, %get3A_59 : vector<16xf32>
        %select_n3A = arith.select %gt3A, %get3A_63, %get3A_59 : vector<16xi1>, vector<16xf32>
        %select_n3A_82 = arith.select %gt3A, %add3A_66, %add3A_61 : vector<16xi1>, vector<16xi32>
        %gt3A_83 = arith.cmpf ogt, %get3A_73, %get3A_68 : vector<16xf32>
        %select_n3A_84 = arith.select %gt3A_83, %get3A_73, %get3A_68 : vector<16xi1>, vector<16xf32>
        %select_n3A_85 = arith.select %gt3A_83, %add3A_76, %add3A_71 : vector<16xi1>, vector<16xi32>
        %gt3A_86 = arith.cmpf ogt, %select_n3A_84, %select_n3A : vector<16xf32>
        %select_n3A_87 = arith.select %gt3A_86, %select_n3A_84, %select_n3A : vector<16xi1>, vector<16xf32>
        %select_n3A_88 = arith.select %gt3A_86, %select_n3A_85, %select_n3A_82 : vector<16xi1>, vector<16xi32>
        %gt3A_89 = arith.cmpf ogt, %get3A_78, %select_n3A_87 : vector<16xf32>
        %select_n3A_90 = arith.select %gt3A_89, %get3A_78, %select_n3A_87 : vector<16xi1>, vector<16xf32>
        %select_n3A_91 = arith.select %gt3A_89, %add3A_81, %select_n3A_88 : vector<16xi1>, vector<16xi32>
        %reduce_max3A = arith.constant true
        %reduce_max3A_92 = vector.broadcast %reduce_max3A : i1 to vector<16xi1>
        %reduce_max3A_93 = tpu.scan <max>, %select_n3A_90 masked %reduce_max3A_92 : vector<16xf32>, vector<16xi1> -> vector<16xf32>
        %reduce_max3A_94 = vector.extract %reduce_max3A_93[15] : f32 from vector<16xf32>
        %eq3A_95 = vector.broadcast %reduce_max3A_94 : f32 to vector<16xf32>
        %eq3A_96 = arith.cmpf oeq, %select_n3A_90, %eq3A_95 : vector<16xf32>
        %broadcast_in_dim3A_97 = vector.broadcast %cond3A : i32 to vector<16xi32>
        %select_n3A_98 = arith.select %eq3A_96, %select_n3A_91, %broadcast_in_dim3A_97 : vector<16xi1>, vector<16xi32>
        %reduce_min3A = arith.constant true
        %reduce_min3A_99 = vector.broadcast %reduce_min3A : i1 to vector<16xi1>
        %reduce_min3A_100 = arith.constant -2147483648 : i32
        %reduce_min3A_101 = vector.broadcast %reduce_min3A_100 : i32 to vector<16xi32>
        %reduce_min3A_102 = arith.xori %select_n3A_98, %reduce_min3A_101 : vector<16xi32>
        %reduce_min3A_103 = tpu.scan <min>, %reduce_min3A_102 masked %reduce_min3A_99 : vector<16xi32>, vector<16xi1> -> vector<16xi32>
        %reduce_min3A_104 = arith.xori %reduce_min3A_103, %reduce_min3A_101 : vector<16xi32>
        %reduce_min3A_105 = vector.extract %reduce_min3A_104[15] : i32 from vector<16xi32>
        %mul3A = arith.constant 16 : i32
        %mul3A_106 = arith.muli %reduce_min3A_105, %mul3A : i32
        %add3A_107 = vector.broadcast %mul3A_106 : i32 to vector<16xi32>
        %add3A_108 = arith.addi %add3A_107, %iota3A : vector<16xi32>
        %gather3A_109 = tpu.vector_load_idx %arg7[%add3A_108] : memref<1280xf32, #tpu.memory_space<vmem>>[vector<16xi32>], vector<16xf32>,
        %reduce_max3A_110 = arith.constant true
        %reduce_max3A_111 = vector.broadcast %reduce_max3A_110 : i1 to vector<16xi1>
        %reduce_max3A_112 = tpu.scan <max>, %gather3A_109 masked %reduce_max3A_111 : vector<16xf32>, vector<16xi1> -> vector<16xf32>
        %reduce_max3A_113 = vector.extract %reduce_max3A_112[15] : f32 from vector<16xf32>
        %eq3A_114 = vector.broadcast %reduce_max3A_113 : f32 to vector<16xf32>
        %eq3A_115 = arith.cmpf oeq, %gather3A_109, %eq3A_114 : vector<16xf32>
        %all_reduce_ffs3A = tpu.all_reduce %eq3A_115 {dim = 0 : i64, kind = #tpu.reduction_kind<find_first_set>} : vector<16xi1> -> vector<16xi32>
        %mul3A_116 = arith.constant 16 : i32
        %mul3A_117 = arith.muli %reduce_min3A_105, %mul3A_116 : i32
        %add3A_118 = vector.broadcast %mul3A_117 : i32 to vector<16xi32>
        %add3A_119 = arith.addi %add3A_118, %all_reduce_ffs3A : vector<16xi32>
        %mul3A_120 = arith.constant 16 : i32
        %mul3A_121 = vector.broadcast %mul3A_120 : i32 to vector<16xi32>
        %mul3A_122 = arith.muli %add3A_119, %mul3A_121 : vector<16xi32>
        %add3A_123 = arith.addi %mul3A_122, %iota3A : vector<16xi32>
        %gather3A_124 = tpu.vector_load_idx %arg5[%add3A_123] : memref<20224xf32, #tpu.memory_space<vmem>>[vector<16xi32>], vector<16xf32>,
        %reduce_max3A_125 = arith.constant true
        %reduce_max3A_126 = vector.broadcast %reduce_max3A_125 : i1 to vector<16xi1>
        %reduce_max3A_127 = tpu.scan <max>, %gather3A_124 masked %reduce_max3A_126 : vector<16xf32>, vector<16xi1> -> vector<16xf32>
        %reduce_max3A_128 = vector.extract %reduce_max3A_127[15] : f32 from vector<16xf32>
        %eq3A_129 = vector.broadcast %reduce_max3A_128 : f32 to vector<16xf32>
        %eq3A_130 = arith.cmpf oeq, %gather3A_124, %eq3A_129 : vector<16xf32>
        %all_reduce_ffs3A_131 = tpu.all_reduce %eq3A_130 {dim = 0 : i64, kind = #tpu.reduction_kind<find_first_set>} : vector<16xi1> -> vector<16xi32>
        %mul3A_132 = arith.constant 16 : i32
        %mul3A_133 = vector.broadcast %mul3A_132 : i32 to vector<16xi32>
        %mul3A_134 = arith.muli %add3A_119, %mul3A_133 : vector<16xi32>
        %add3A_135 = arith.addi %mul3A_134, %all_reduce_ffs3A_131 : vector<16xi32>
        %broadcast_in_dim3A_136 = arith.constant 0xFF800000 : f32
        %broadcast_in_dim3A_137 = vector.broadcast %broadcast_in_dim3A_136 : f32 to vector<16xf32>
        tpu.vector_store_idx %arg5[%add3A_135], %broadcast_in_dim3A_137 : memref<20224xf32, #tpu.memory_space<vmem>>[vector<16xi32>], vector<16xf32>,
        %eq3A_138 = arith.cmpi eq, %iota3A, %all_reduce_ffs3A_131 : vector<16xi32>
        %jit3A = arith.constant 0xFF800000 : f32
        %broadcast_in_dim3A_139 = vector.broadcast %jit3A : f32 to vector<16xf32>
        %select_n3A_140 = arith.select %eq3A_138, %broadcast_in_dim3A_139, %gather3A_124 : vector<16xi1>, vector<16xf32>
        %reduce_max3A_141 = arith.constant true
        %reduce_max3A_142 = vector.broadcast %reduce_max3A_141 : i1 to vector<16xi1>
        %reduce_max3A_143 = tpu.scan <max>, %select_n3A_140 masked %reduce_max3A_142 : vector<16xf32>, vector<16xi1> -> vector<16xf32>
        %reduce_max3A_144 = vector.extract %reduce_max3A_143[15] : f32 from vector<16xf32>
        %broadcast_in_dim3A_145 = vector.broadcast %reduce_max3A_144 : f32 to vector<16xf32>
        tpu.vector_store_idx %arg7[%add3A_119], %broadcast_in_dim3A_145 : memref<1280xf32, #tpu.memory_space<vmem>>[vector<16xi32>], vector<16xf32>,
        %eq3A_146 = arith.cmpi eq, %iota3A, %all_reduce_ffs3A : vector<16xi32>
        %broadcast_in_dim3A_147 = vector.broadcast %reduce_max3A_144 : f32 to vector<16xf32>
        %select_n3A_148 = arith.select %eq3A_146, %broadcast_in_dim3A_147, %gather3A_109 : vector<16xi1>, vector<16xf32>
        %broadcast_in_dim3A_149 = vector.broadcast %reduce_min3A_105 : i32 to vector<16xi32>
        %reduce_max3A_150 = arith.constant true
        %reduce_max3A_151 = vector.broadcast %reduce_max3A_150 : i1 to vector<16xi1>
        %reduce_max3A_152 = tpu.scan <max>, %select_n3A_148 masked %reduce_max3A_151 : vector<16xf32>, vector<16xi1> -> vector<16xf32>
        %reduce_max3A_153 = vector.extract %reduce_max3A_152[15] : f32 from vector<16xf32>
        %broadcast_in_dim3A_154 = vector.broadcast %reduce_max3A_153 : f32 to vector<16xf32>
        tpu.vector_store_idx %arg8[%broadcast_in_dim3A_149], %broadcast_in_dim3A_154 : memref<80xf32, #tpu.memory_space<vmem>>[vector<16xi32>], vector<16xf32>,
        %broadcast_in_dim3A_155 = arith.constant 0 : i32
        %broadcast_in_dim3A_156 = vector.broadcast %broadcast_in_dim3A_155 : i32 to vector<16xi32>
        %gather3A_157 = tpu.vector_load_idx %arg6[%broadcast_in_dim3A_156, %add3A_135] : memref<4x20000xf32, #tpu.memory_space<vmem>>[vector<16xi32>, vector<16xi32>], vector<16xf32>,
        %broadcast_in_dim3A_158 = arith.constant 1 : i32
        %broadcast_in_dim3A_159 = vector.broadcast %broadcast_in_dim3A_158 : i32 to vector<16xi32>
        %gather3A_160 = tpu.vector_load_idx %arg6[%broadcast_in_dim3A_159, %add3A_135] : memref<4x20000xf32, #tpu.memory_space<vmem>>[vector<16xi32>, vector<16xi32>], vector<16xf32>,
        %broadcast_in_dim3A_161 = arith.constant 2 : i32
        %broadcast_in_dim3A_162 = vector.broadcast %broadcast_in_dim3A_161 : i32 to vector<16xi32>
        %gather3A_163 = tpu.vector_load_idx %arg6[%broadcast_in_dim3A_162, %add3A_135] : memref<4x20000xf32, #tpu.memory_space<vmem>>[vector<16xi32>, vector<16xi32>], vector<16xf32>,
        %broadcast_in_dim3A_164 = arith.constant 3 : i32
        %broadcast_in_dim3A_165 = vector.broadcast %broadcast_in_dim3A_164 : i32 to vector<16xi32>
        %gather3A_166 = tpu.vector_load_idx %arg6[%broadcast_in_dim3A_165, %add3A_135] : memref<4x20000xf32, #tpu.memory_space<vmem>>[vector<16xi32>, vector<16xi32>], vector<16xf32>,
        %add3A_167 = arith.constant 1.000000e+00 : f32
        %add3A_168 = vector.broadcast %add3A_167 : f32 to vector<16xf32>
        %add3A_169 = arith.addf %gather3A_163, %add3A_168 : vector<16xf32>
        %add3A_170 = arith.constant 1.000000e+00 : f32
        %add3A_171 = vector.broadcast %add3A_170 : f32 to vector<16xf32>
        %add3A_172 = arith.addf %gather3A_166, %add3A_171 : vector<16xf32>
        %sub3A = arith.subf %add3A_169, %gather3A_157 : vector<16xf32>
        %sub3A_173 = arith.subf %add3A_172, %gather3A_160 : vector<16xf32>
        %mul3A_174 = arith.mulf %sub3A, %sub3A_173 : vector<16xf32>
        %mul3A_175 = vector.broadcast %cond3A_3 : f32 to vector<16xf32>
        %mul3A_176 = arith.mulf %mul3A_175, %mul3A_174 : vector<16xf32>
        %get3A_177 = arith.constant 0 : index
        %get3A_178 = tpu.vector_load %arg8[%get3A_177] {strides = array<i32>} : memref<80xf32, #tpu.memory_space<vmem>>, vector<16xf32>,
        %add3A_179 = arith.constant 0 : i32
        %add3A_180 = vector.broadcast %add3A_179 : i32 to vector<16xi32>
        %add3A_181 = arith.addi %add3A_180, %iota3A : vector<16xi32>
        %get3A_182 = arith.constant 16 : index
        %get3A_183 = tpu.vector_load %arg8[%get3A_182] {strides = array<i32>} : memref<80xf32, #tpu.memory_space<vmem>>, vector<16xf32>,
        %add3A_184 = arith.constant 16 : i32
        %add3A_185 = vector.broadcast %add3A_184 : i32 to vector<16xi32>
        %add3A_186 = arith.addi %add3A_185, %iota3A : vector<16xi32>
        %get3A_187 = arith.constant 32 : index
        %get3A_188 = tpu.vector_load %arg8[%get3A_187] {strides = array<i32>} : memref<80xf32, #tpu.memory_space<vmem>>, vector<16xf32>,
        %add3A_189 = arith.constant 32 : i32
        %add3A_190 = vector.broadcast %add3A_189 : i32 to vector<16xi32>
        %add3A_191 = arith.addi %add3A_190, %iota3A : vector<16xi32>
        %get3A_192 = arith.constant 48 : index
        %get3A_193 = tpu.vector_load %arg8[%get3A_192] {strides = array<i32>} : memref<80xf32, #tpu.memory_space<vmem>>, vector<16xf32>,
        %add3A_194 = arith.constant 48 : i32
        %add3A_195 = vector.broadcast %add3A_194 : i32 to vector<16xi32>
        %add3A_196 = arith.addi %add3A_195, %iota3A : vector<16xi32>
        %get3A_197 = arith.constant 64 : index
        %get3A_198 = tpu.vector_load %arg8[%get3A_197] {strides = array<i32>} : memref<80xf32, #tpu.memory_space<vmem>>, vector<16xf32>,
        %add3A_199 = arith.constant 64 : i32
        %add3A_200 = vector.broadcast %add3A_199 : i32 to vector<16xi32>
        %add3A_201 = arith.addi %add3A_200, %iota3A : vector<16xi32>
        %gt3A_202 = arith.cmpf ogt, %get3A_183, %get3A_178 : vector<16xf32>
        %select_n3A_203 = arith.select %gt3A_202, %get3A_183, %get3A_178 : vector<16xi1>, vector<16xf32>
        %select_n3A_204 = arith.select %gt3A_202, %add3A_186, %add3A_181 : vector<16xi1>, vector<16xi32>
        %gt3A_205 = arith.cmpf ogt, %get3A_193, %get3A_188 : vector<16xf32>
        %select_n3A_206 = arith.select %gt3A_205, %get3A_193, %get3A_188 : vector<16xi1>, vector<16xf32>
        %select_n3A_207 = arith.select %gt3A_205, %add3A_196, %add3A_191 : vector<16xi1>, vector<16xi32>
        %gt3A_208 = arith.cmpf ogt, %select_n3A_206, %select_n3A_203 : vector<16xf32>
        %select_n3A_209 = arith.select %gt3A_208, %select_n3A_206, %select_n3A_203 : vector<16xi1>, vector<16xf32>
        %select_n3A_210 = arith.select %gt3A_208, %select_n3A_207, %select_n3A_204 : vector<16xi1>, vector<16xi32>
        %gt3A_211 = arith.cmpf ogt, %get3A_198, %select_n3A_209 : vector<16xf32>
        %select_n3A_212 = arith.select %gt3A_211, %get3A_198, %select_n3A_209 : vector<16xi1>, vector<16xf32>
        %select_n3A_213 = arith.select %gt3A_211, %add3A_201, %select_n3A_210 : vector<16xi1>, vector<16xi32>
        %reduce_max3A_214 = arith.constant true
        %reduce_max3A_215 = vector.broadcast %reduce_max3A_214 : i1 to vector<16xi1>
        %reduce_max3A_216 = tpu.scan <max>, %select_n3A_212 masked %reduce_max3A_215 : vector<16xf32>, vector<16xi1> -> vector<16xf32>
        %reduce_max3A_217 = vector.extract %reduce_max3A_216[15] : f32 from vector<16xf32>
        %eq3A_218 = vector.broadcast %reduce_max3A_217 : f32 to vector<16xf32>
        %eq3A_219 = arith.cmpf oeq, %select_n3A_212, %eq3A_218 : vector<16xf32>
        %broadcast_in_dim3A_220 = vector.broadcast %cond3A : i32 to vector<16xi32>
        %select_n3A_221 = arith.select %eq3A_219, %select_n3A_213, %broadcast_in_dim3A_220 : vector<16xi1>, vector<16xi32>
        %reduce_min3A_222 = arith.constant true
        %reduce_min3A_223 = vector.broadcast %reduce_min3A_222 : i1 to vector<16xi1>
        %reduce_min3A_224 = arith.constant -2147483648 : i32
        %reduce_min3A_225 = vector.broadcast %reduce_min3A_224 : i32 to vector<16xi32>
        %reduce_min3A_226 = arith.xori %select_n3A_221, %reduce_min3A_225 : vector<16xi32>
        %reduce_min3A_227 = tpu.scan <min>, %reduce_min3A_226 masked %reduce_min3A_223 : vector<16xi32>, vector<16xi1> -> vector<16xi32>
        %reduce_min3A_228 = arith.xori %reduce_min3A_227, %reduce_min3A_225 : vector<16xi32>
        %reduce_min3A_229 = vector.extract %reduce_min3A_228[15] : i32 from vector<16xi32>
        %mul3A_230 = arith.constant 16 : i32
        %mul3A_231 = arith.muli %reduce_min3A_229, %mul3A_230 : i32
        %add3A_232 = vector.broadcast %mul3A_231 : i32 to vector<16xi32>
        %add3A_233 = arith.addi %add3A_232, %iota3A : vector<16xi32>
        %gather3A_234 = tpu.vector_load_idx %arg7[%add3A_233] : memref<1280xf32, #tpu.memory_space<vmem>>[vector<16xi32>], vector<16xf32>,
        %reduce_max3A_235 = arith.constant true
        %reduce_max3A_236 = vector.broadcast %reduce_max3A_235 : i1 to vector<16xi1>
        %reduce_max3A_237 = tpu.scan <max>, %gather3A_234 masked %reduce_max3A_236 : vector<16xf32>, vector<16xi1> -> vector<16xf32>
        %reduce_max3A_238 = vector.extract %reduce_max3A_237[15] : f32 from vector<16xf32>
        %eq3A_239 = vector.broadcast %reduce_max3A_238 : f32 to vector<16xf32>
        %eq3A_240 = arith.cmpf oeq, %gather3A_234, %eq3A_239 : vector<16xf32>
        %all_reduce_ffs3A_241 = tpu.all_reduce %eq3A_240 {dim = 0 : i64, kind = #tpu.reduction_kind<find_first_set>} : vector<16xi1> -> vector<16xi32>
        %mul3A_242 = arith.constant 16 : i32
        %mul3A_243 = arith.muli %reduce_min3A_229, %mul3A_242 : i32
        %add3A_244 = vector.broadcast %mul3A_243 : i32 to vector<16xi32>
        %add3A_245 = arith.addi %add3A_244, %all_reduce_ffs3A_241 : vector<16xi32>
        %mul3A_246 = arith.constant 16 : i32
        %mul3A_247 = vector.broadcast %mul3A_246 : i32 to vector<16xi32>
        %mul3A_248 = arith.muli %add3A_245, %mul3A_247 : vector<16xi32>
        %add3A_249 = arith.addi %mul3A_248, %iota3A : vector<16xi32>
        %gather3A_250 = tpu.vector_load_idx %arg5[%add3A_249] : memref<20224xf32, #tpu.memory_space<vmem>>[vector<16xi32>], vector<16xf32>,
        %reduce_max3A_251 = arith.constant true
        %reduce_max3A_252 = vector.broadcast %reduce_max3A_251 : i1 to vector<16xi1>
        %reduce_max3A_253 = tpu.scan <max>, %gather3A_250 masked %reduce_max3A_252 : vector<16xf32>, vector<16xi1> -> vector<16xf32>
        %reduce_max3A_254 = vector.extract %reduce_max3A_253[15] : f32 from vector<16xf32>
        %eq3A_255 = vector.broadcast %reduce_max3A_254 : f32 to vector<16xf32>
        %eq3A_256 = arith.cmpf oeq, %gather3A_250, %eq3A_255 : vector<16xf32>
        %all_reduce_ffs3A_257 = tpu.all_reduce %eq3A_256 {dim = 0 : i64, kind = #tpu.reduction_kind<find_first_set>} : vector<16xi1> -> vector<16xi32>
        %mul3A_258 = arith.constant 16 : i32
        %mul3A_259 = vector.broadcast %mul3A_258 : i32 to vector<16xi32>
        %mul3A_260 = arith.muli %add3A_245, %mul3A_259 : vector<16xi32>
        %add3A_261 = arith.addi %mul3A_260, %all_reduce_ffs3A_257 : vector<16xi32>
        %broadcast_in_dim3A_262 = arith.constant 0xFF800000 : f32
        %broadcast_in_dim3A_263 = vector.broadcast %broadcast_in_dim3A_262 : f32 to vector<16xf32>
        tpu.vector_store_idx %arg5[%add3A_261], %broadcast_in_dim3A_263 : memref<20224xf32, #tpu.memory_space<vmem>>[vector<16xi32>], vector<16xf32>,
        %eq3A_264 = arith.cmpi eq, %iota3A, %all_reduce_ffs3A_257 : vector<16xi32>
        %jit3A_265 = arith.constant 0xFF800000 : f32
        %broadcast_in_dim3A_266 = vector.broadcast %jit3A_265 : f32 to vector<16xf32>
        %select_n3A_267 = arith.select %eq3A_264, %broadcast_in_dim3A_266, %gather3A_250 : vector<16xi1>, vector<16xf32>
        %reduce_max3A_268 = arith.constant true
        %reduce_max3A_269 = vector.broadcast %reduce_max3A_268 : i1 to vector<16xi1>
        %reduce_max3A_270 = tpu.scan <max>, %select_n3A_267 masked %reduce_max3A_269 : vector<16xf32>, vector<16xi1> -> vector<16xf32>
        %reduce_max3A_271 = vector.extract %reduce_max3A_270[15] : f32 from vector<16xf32>
        %broadcast_in_dim3A_272 = vector.broadcast %reduce_max3A_271 : f32 to vector<16xf32>
        tpu.vector_store_idx %arg7[%add3A_245], %broadcast_in_dim3A_272 : memref<1280xf32, #tpu.memory_space<vmem>>[vector<16xi32>], vector<16xf32>,
        %eq3A_273 = arith.cmpi eq, %iota3A, %all_reduce_ffs3A_241 : vector<16xi32>
        %broadcast_in_dim3A_274 = vector.broadcast %reduce_max3A_271 : f32 to vector<16xf32>
        %select_n3A_275 = arith.select %eq3A_273, %broadcast_in_dim3A_274, %gather3A_234 : vector<16xi1>, vector<16xf32>
        %broadcast_in_dim3A_276 = vector.broadcast %reduce_min3A_229 : i32 to vector<16xi32>
        %reduce_max3A_277 = arith.constant true
        %reduce_max3A_278 = vector.broadcast %reduce_max3A_277 : i1 to vector<16xi1>
        %reduce_max3A_279 = tpu.scan <max>, %select_n3A_275 masked %reduce_max3A_278 : vector<16xf32>, vector<16xi1> -> vector<16xf32>
        %reduce_max3A_280 = vector.extract %reduce_max3A_279[15] : f32 from vector<16xf32>
        %broadcast_in_dim3A_281 = vector.broadcast %reduce_max3A_280 : f32 to vector<16xf32>
        tpu.vector_store_idx %arg8[%broadcast_in_dim3A_276], %broadcast_in_dim3A_281 : memref<80xf32, #tpu.memory_space<vmem>>[vector<16xi32>], vector<16xf32>,
        %broadcast_in_dim3A_282 = arith.constant 0 : i32
        %broadcast_in_dim3A_283 = vector.broadcast %broadcast_in_dim3A_282 : i32 to vector<16xi32>
        %gather3A_284 = tpu.vector_load_idx %arg6[%broadcast_in_dim3A_283, %add3A_261] : memref<4x20000xf32, #tpu.memory_space<vmem>>[vector<16xi32>, vector<16xi32>], vector<16xf32>,
        %broadcast_in_dim3A_285 = arith.constant 1 : i32
        %broadcast_in_dim3A_286 = vector.broadcast %broadcast_in_dim3A_285 : i32 to vector<16xi32>
        %gather3A_287 = tpu.vector_load_idx %arg6[%broadcast_in_dim3A_286, %add3A_261] : memref<4x20000xf32, #tpu.memory_space<vmem>>[vector<16xi32>, vector<16xi32>], vector<16xf32>,
        %broadcast_in_dim3A_288 = arith.constant 2 : i32
        %broadcast_in_dim3A_289 = vector.broadcast %broadcast_in_dim3A_288 : i32 to vector<16xi32>
        %gather3A_290 = tpu.vector_load_idx %arg6[%broadcast_in_dim3A_289, %add3A_261] : memref<4x20000xf32, #tpu.memory_space<vmem>>[vector<16xi32>, vector<16xi32>], vector<16xf32>,
        %broadcast_in_dim3A_291 = arith.constant 3 : i32
        %broadcast_in_dim3A_292 = vector.broadcast %broadcast_in_dim3A_291 : i32 to vector<16xi32>
        %gather3A_293 = tpu.vector_load_idx %arg6[%broadcast_in_dim3A_292, %add3A_261] : memref<4x20000xf32, #tpu.memory_space<vmem>>[vector<16xi32>, vector<16xi32>], vector<16xf32>,
        %add3A_294 = arith.constant 1.000000e+00 : f32
        %add3A_295 = vector.broadcast %add3A_294 : f32 to vector<16xf32>
        %add3A_296 = arith.addf %gather3A_290, %add3A_295 : vector<16xf32>
        %add3A_297 = arith.constant 1.000000e+00 : f32
        %add3A_298 = vector.broadcast %add3A_297 : f32 to vector<16xf32>
        %add3A_299 = arith.addf %gather3A_293, %add3A_298 : vector<16xf32>
        %sub3A_300 = arith.subf %add3A_296, %gather3A_284 : vector<16xf32>
        %sub3A_301 = arith.subf %add3A_299, %gather3A_287 : vector<16xf32>
        %mul3A_302 = arith.mulf %sub3A_300, %sub3A_301 : vector<16xf32>
        %mul3A_303 = vector.broadcast %cond3A_3 : f32 to vector<16xf32>
        %mul3A_304 = arith.mulf %mul3A_303, %mul3A_302 : vector<16xf32>
        %get3A_305 = arith.constant 0 : index
        %get3A_306 = tpu.vector_load %arg8[%get3A_305] {strides = array<i32>} : memref<80xf32, #tpu.memory_space<vmem>>, vector<16xf32>,
        %add3A_307 = arith.constant 0 : i32
        %add3A_308 = vector.broadcast %add3A_307 : i32 to vector<16xi32>
        %add3A_309 = arith.addi %add3A_308, %iota3A : vector<16xi32>
        %get3A_310 = arith.constant 16 : index
        %get3A_311 = tpu.vector_load %arg8[%get3A_310] {strides = array<i32>} : memref<80xf32, #tpu.memory_space<vmem>>, vector<16xf32>,
        %add3A_312 = arith.constant 16 : i32
        %add3A_313 = vector.broadcast %add3A_312 : i32 to vector<16xi32>
        %add3A_314 = arith.addi %add3A_313, %iota3A : vector<16xi32>
        %get3A_315 = arith.constant 32 : index
        %get3A_316 = tpu.vector_load %arg8[%get3A_315] {strides = array<i32>} : memref<80xf32, #tpu.memory_space<vmem>>, vector<16xf32>,
        %add3A_317 = arith.constant 32 : i32
        %add3A_318 = vector.broadcast %add3A_317 : i32 to vector<16xi32>
        %add3A_319 = arith.addi %add3A_318, %iota3A : vector<16xi32>
        %get3A_320 = arith.constant 48 : index
        %get3A_321 = tpu.vector_load %arg8[%get3A_320] {strides = array<i32>} : memref<80xf32, #tpu.memory_space<vmem>>, vector<16xf32>,
        %add3A_322 = arith.constant 48 : i32
        %add3A_323 = vector.broadcast %add3A_322 : i32 to vector<16xi32>
        %add3A_324 = arith.addi %add3A_323, %iota3A : vector<16xi32>
        %get3A_325 = arith.constant 64 : index
        %get3A_326 = tpu.vector_load %arg8[%get3A_325] {strides = array<i32>} : memref<80xf32, #tpu.memory_space<vmem>>, vector<16xf32>,
        %add3A_327 = arith.constant 64 : i32
        %add3A_328 = vector.broadcast %add3A_327 : i32 to vector<16xi32>
        %add3A_329 = arith.addi %add3A_328, %iota3A : vector<16xi32>
        %gt3A_330 = arith.cmpf ogt, %get3A_311, %get3A_306 : vector<16xf32>
        %select_n3A_331 = arith.select %gt3A_330, %get3A_311, %get3A_306 : vector<16xi1>, vector<16xf32>
        %select_n3A_332 = arith.select %gt3A_330, %add3A_314, %add3A_309 : vector<16xi1>, vector<16xi32>
        %gt3A_333 = arith.cmpf ogt, %get3A_321, %get3A_316 : vector<16xf32>
        %select_n3A_334 = arith.select %gt3A_333, %get3A_321, %get3A_316 : vector<16xi1>, vector<16xf32>
        %select_n3A_335 = arith.select %gt3A_333, %add3A_324, %add3A_319 : vector<16xi1>, vector<16xi32>
        %gt3A_336 = arith.cmpf ogt, %select_n3A_334, %select_n3A_331 : vector<16xf32>
        %select_n3A_337 = arith.select %gt3A_336, %select_n3A_334, %select_n3A_331 : vector<16xi1>, vector<16xf32>
        %select_n3A_338 = arith.select %gt3A_336, %select_n3A_335, %select_n3A_332 : vector<16xi1>, vector<16xi32>
        %gt3A_339 = arith.cmpf ogt, %get3A_326, %select_n3A_337 : vector<16xf32>
        %select_n3A_340 = arith.select %gt3A_339, %get3A_326, %select_n3A_337 : vector<16xi1>, vector<16xf32>
        %select_n3A_341 = arith.select %gt3A_339, %add3A_329, %select_n3A_338 : vector<16xi1>, vector<16xi32>
        %reduce_max3A_342 = arith.constant true
        %reduce_max3A_343 = vector.broadcast %reduce_max3A_342 : i1 to vector<16xi1>
        %reduce_max3A_344 = tpu.scan <max>, %select_n3A_340 masked %reduce_max3A_343 : vector<16xf32>, vector<16xi1> -> vector<16xf32>
        %reduce_max3A_345 = vector.extract %reduce_max3A_344[15] : f32 from vector<16xf32>
        %eq3A_346 = vector.broadcast %reduce_max3A_345 : f32 to vector<16xf32>
        %eq3A_347 = arith.cmpf oeq, %select_n3A_340, %eq3A_346 : vector<16xf32>
        %broadcast_in_dim3A_348 = vector.broadcast %cond3A : i32 to vector<16xi32>
        %select_n3A_349 = arith.select %eq3A_347, %select_n3A_341, %broadcast_in_dim3A_348 : vector<16xi1>, vector<16xi32>
        %reduce_min3A_350 = arith.constant true
        %reduce_min3A_351 = vector.broadcast %reduce_min3A_350 : i1 to vector<16xi1>
        %reduce_min3A_352 = arith.constant -2147483648 : i32
        %reduce_min3A_353 = vector.broadcast %reduce_min3A_352 : i32 to vector<16xi32>
        %reduce_min3A_354 = arith.xori %select_n3A_349, %reduce_min3A_353 : vector<16xi32>
        %reduce_min3A_355 = tpu.scan <min>, %reduce_min3A_354 masked %reduce_min3A_351 : vector<16xi32>, vector<16xi1> -> vector<16xi32>
        %reduce_min3A_356 = arith.xori %reduce_min3A_355, %reduce_min3A_353 : vector<16xi32>
        %reduce_min3A_357 = vector.extract %reduce_min3A_356[15] : i32 from vector<16xi32>
        %mul3A_358 = arith.constant 16 : i32
        %mul3A_359 = arith.muli %reduce_min3A_357, %mul3A_358 : i32
        %add3A_360 = vector.broadcast %mul3A_359 : i32 to vector<16xi32>
        %add3A_361 = arith.addi %add3A_360, %iota3A : vector<16xi32>
        %gather3A_362 = tpu.vector_load_idx %arg7[%add3A_361] : memref<1280xf32, #tpu.memory_space<vmem>>[vector<16xi32>], vector<16xf32>,
        %reduce_max3A_363 = arith.constant true
        %reduce_max3A_364 = vector.broadcast %reduce_max3A_363 : i1 to vector<16xi1>
        %reduce_max3A_365 = tpu.scan <max>, %gather3A_362 masked %reduce_max3A_364 : vector<16xf32>, vector<16xi1> -> vector<16xf32>
        %reduce_max3A_366 = vector.extract %reduce_max3A_365[15] : f32 from vector<16xf32>
        %eq3A_367 = vector.broadcast %reduce_max3A_366 : f32 to vector<16xf32>
        %eq3A_368 = arith.cmpf oeq, %gather3A_362, %eq3A_367 : vector<16xf32>
        %all_reduce_ffs3A_369 = tpu.all_reduce %eq3A_368 {dim = 0 : i64, kind = #tpu.reduction_kind<find_first_set>} : vector<16xi1> -> vector<16xi32>
        %mul3A_370 = arith.constant 16 : i32
        %mul3A_371 = arith.muli %reduce_min3A_357, %mul3A_370 : i32
        %add3A_372 = vector.broadcast %mul3A_371 : i32 to vector<16xi32>
        %add3A_373 = arith.addi %add3A_372, %all_reduce_ffs3A_369 : vector<16xi32>
        %mul3A_374 = arith.constant 16 : i32
        %mul3A_375 = vector.broadcast %mul3A_374 : i32 to vector<16xi32>
        %mul3A_376 = arith.muli %add3A_373, %mul3A_375 : vector<16xi32>
        %add3A_377 = arith.addi %mul3A_376, %iota3A : vector<16xi32>
        %gather3A_378 = tpu.vector_load_idx %arg5[%add3A_377] : memref<20224xf32, #tpu.memory_space<vmem>>[vector<16xi32>], vector<16xf32>,
        %reduce_max3A_379 = arith.constant true
        %reduce_max3A_380 = vector.broadcast %reduce_max3A_379 : i1 to vector<16xi1>
        %reduce_max3A_381 = tpu.scan <max>, %gather3A_378 masked %reduce_max3A_380 : vector<16xf32>, vector<16xi1> -> vector<16xf32>
        %reduce_max3A_382 = vector.extract %reduce_max3A_381[15] : f32 from vector<16xf32>
        %eq3A_383 = vector.broadcast %reduce_max3A_382 : f32 to vector<16xf32>
        %eq3A_384 = arith.cmpf oeq, %gather3A_378, %eq3A_383 : vector<16xf32>
        %all_reduce_ffs3A_385 = tpu.all_reduce %eq3A_384 {dim = 0 : i64, kind = #tpu.reduction_kind<find_first_set>} : vector<16xi1> -> vector<16xi32>
        %mul3A_386 = arith.constant 16 : i32
        %mul3A_387 = vector.broadcast %mul3A_386 : i32 to vector<16xi32>
        %mul3A_388 = arith.muli %add3A_373, %mul3A_387 : vector<16xi32>
        %add3A_389 = arith.addi %mul3A_388, %all_reduce_ffs3A_385 : vector<16xi32>
        %broadcast_in_dim3A_390 = arith.constant 0xFF800000 : f32
        %broadcast_in_dim3A_391 = vector.broadcast %broadcast_in_dim3A_390 : f32 to vector<16xf32>
        tpu.vector_store_idx %arg5[%add3A_389], %broadcast_in_dim3A_391 : memref<20224xf32, #tpu.memory_space<vmem>>[vector<16xi32>], vector<16xf32>,
        %eq3A_392 = arith.cmpi eq, %iota3A, %all_reduce_ffs3A_385 : vector<16xi32>
        %jit3A_393 = arith.constant 0xFF800000 : f32
        %broadcast_in_dim3A_394 = vector.broadcast %jit3A_393 : f32 to vector<16xf32>
        %select_n3A_395 = arith.select %eq3A_392, %broadcast_in_dim3A_394, %gather3A_378 : vector<16xi1>, vector<16xf32>
        %reduce_max3A_396 = arith.constant true
        %reduce_max3A_397 = vector.broadcast %reduce_max3A_396 : i1 to vector<16xi1>
        %reduce_max3A_398 = tpu.scan <max>, %select_n3A_395 masked %reduce_max3A_397 : vector<16xf32>, vector<16xi1> -> vector<16xf32>
        %reduce_max3A_399 = vector.extract %reduce_max3A_398[15] : f32 from vector<16xf32>
        %broadcast_in_dim3A_400 = vector.broadcast %reduce_max3A_399 : f32 to vector<16xf32>
        tpu.vector_store_idx %arg7[%add3A_373], %broadcast_in_dim3A_400 : memref<1280xf32, #tpu.memory_space<vmem>>[vector<16xi32>], vector<16xf32>,
        %eq3A_401 = arith.cmpi eq, %iota3A, %all_reduce_ffs3A_369 : vector<16xi32>
        %broadcast_in_dim3A_402 = vector.broadcast %reduce_max3A_399 : f32 to vector<16xf32>
        %select_n3A_403 = arith.select %eq3A_401, %broadcast_in_dim3A_402, %gather3A_362 : vector<16xi1>, vector<16xf32>
        %broadcast_in_dim3A_404 = vector.broadcast %reduce_min3A_357 : i32 to vector<16xi32>
        %reduce_max3A_405 = arith.constant true
        %reduce_max3A_406 = vector.broadcast %reduce_max3A_405 : i1 to vector<16xi1>
        %reduce_max3A_407 = tpu.scan <max>, %select_n3A_403 masked %reduce_max3A_406 : vector<16xf32>, vector<16xi1> -> vector<16xf32>
        %reduce_max3A_408 = vector.extract %reduce_max3A_407[15] : f32 from vector<16xf32>
        %broadcast_in_dim3A_409 = vector.broadcast %reduce_max3A_408 : f32 to vector<16xf32>
        tpu.vector_store_idx %arg8[%broadcast_in_dim3A_404], %broadcast_in_dim3A_409 : memref<80xf32, #tpu.memory_space<vmem>>[vector<16xi32>], vector<16xf32>,
        %broadcast_in_dim3A_410 = arith.constant 0 : i32
        %broadcast_in_dim3A_411 = vector.broadcast %broadcast_in_dim3A_410 : i32 to vector<16xi32>
        %gather3A_412 = tpu.vector_load_idx %arg6[%broadcast_in_dim3A_411, %add3A_389] : memref<4x20000xf32, #tpu.memory_space<vmem>>[vector<16xi32>, vector<16xi32>], vector<16xf32>,
        %broadcast_in_dim3A_413 = arith.constant 1 : i32
        %broadcast_in_dim3A_414 = vector.broadcast %broadcast_in_dim3A_413 : i32 to vector<16xi32>
        %gather3A_415 = tpu.vector_load_idx %arg6[%broadcast_in_dim3A_414, %add3A_389] : memref<4x20000xf32, #tpu.memory_space<vmem>>[vector<16xi32>, vector<16xi32>], vector<16xf32>,
        %broadcast_in_dim3A_416 = arith.constant 2 : i32
        %broadcast_in_dim3A_417 = vector.broadcast %broadcast_in_dim3A_416 : i32 to vector<16xi32>
        %gather3A_418 = tpu.vector_load_idx %arg6[%broadcast_in_dim3A_417, %add3A_389] : memref<4x20000xf32, #tpu.memory_space<vmem>>[vector<16xi32>, vector<16xi32>], vector<16xf32>,
        %broadcast_in_dim3A_419 = arith.constant 3 : i32
        %broadcast_in_dim3A_420 = vector.broadcast %broadcast_in_dim3A_419 : i32 to vector<16xi32>
        %gather3A_421 = tpu.vector_load_idx %arg6[%broadcast_in_dim3A_420, %add3A_389] : memref<4x20000xf32, #tpu.memory_space<vmem>>[vector<16xi32>, vector<16xi32>], vector<16xf32>,
        %add3A_422 = arith.constant 1.000000e+00 : f32
        %add3A_423 = vector.broadcast %add3A_422 : f32 to vector<16xf32>
        %add3A_424 = arith.addf %gather3A_418, %add3A_423 : vector<16xf32>
        %add3A_425 = arith.constant 1.000000e+00 : f32
        %add3A_426 = vector.broadcast %add3A_425 : f32 to vector<16xf32>
        %add3A_427 = arith.addf %gather3A_421, %add3A_426 : vector<16xf32>
        %sub3A_428 = arith.subf %add3A_424, %gather3A_412 : vector<16xf32>
        %sub3A_429 = arith.subf %add3A_427, %gather3A_415 : vector<16xf32>
        %mul3A_430 = arith.mulf %sub3A_428, %sub3A_429 : vector<16xf32>
        %mul3A_431 = vector.broadcast %cond3A_3 : f32 to vector<16xf32>
        %mul3A_432 = arith.mulf %mul3A_431, %mul3A_430 : vector<16xf32>
        %get3A_433 = arith.constant 0 : index
        %get3A_434 = tpu.vector_load %arg8[%get3A_433] {strides = array<i32>} : memref<80xf32, #tpu.memory_space<vmem>>, vector<16xf32>,
        %add3A_435 = arith.constant 0 : i32
        %add3A_436 = vector.broadcast %add3A_435 : i32 to vector<16xi32>
        %add3A_437 = arith.addi %add3A_436, %iota3A : vector<16xi32>
        %get3A_438 = arith.constant 16 : index
        %get3A_439 = tpu.vector_load %arg8[%get3A_438] {strides = array<i32>} : memref<80xf32, #tpu.memory_space<vmem>>, vector<16xf32>,
        %add3A_440 = arith.constant 16 : i32
        %add3A_441 = vector.broadcast %add3A_440 : i32 to vector<16xi32>
        %add3A_442 = arith.addi %add3A_441, %iota3A : vector<16xi32>
        %get3A_443 = arith.constant 32 : index
        %get3A_444 = tpu.vector_load %arg8[%get3A_443] {strides = array<i32>} : memref<80xf32, #tpu.memory_space<vmem>>, vector<16xf32>,
        %add3A_445 = arith.constant 32 : i32
        %add3A_446 = vector.broadcast %add3A_445 : i32 to vector<16xi32>
        %add3A_447 = arith.addi %add3A_446, %iota3A : vector<16xi32>
        %get3A_448 = arith.constant 48 : index
        %get3A_449 = tpu.vector_load %arg8[%get3A_448] {strides = array<i32>} : memref<80xf32, #tpu.memory_space<vmem>>, vector<16xf32>,
        %add3A_450 = arith.constant 48 : i32
        %add3A_451 = vector.broadcast %add3A_450 : i32 to vector<16xi32>
        %add3A_452 = arith.addi %add3A_451, %iota3A : vector<16xi32>
        %get3A_453 = arith.constant 64 : index
        %get3A_454 = tpu.vector_load %arg8[%get3A_453] {strides = array<i32>} : memref<80xf32, #tpu.memory_space<vmem>>, vector<16xf32>,
        %add3A_455 = arith.constant 64 : i32
        %add3A_456 = vector.broadcast %add3A_455 : i32 to vector<16xi32>
        %add3A_457 = arith.addi %add3A_456, %iota3A : vector<16xi32>
        %gt3A_458 = arith.cmpf ogt, %get3A_439, %get3A_434 : vector<16xf32>
        %select_n3A_459 = arith.select %gt3A_458, %get3A_439, %get3A_434 : vector<16xi1>, vector<16xf32>
        %select_n3A_460 = arith.select %gt3A_458, %add3A_442, %add3A_437 : vector<16xi1>, vector<16xi32>
        %gt3A_461 = arith.cmpf ogt, %get3A_449, %get3A_444 : vector<16xf32>
        %select_n3A_462 = arith.select %gt3A_461, %get3A_449, %get3A_444 : vector<16xi1>, vector<16xf32>
        %select_n3A_463 = arith.select %gt3A_461, %add3A_452, %add3A_447 : vector<16xi1>, vector<16xi32>
        %gt3A_464 = arith.cmpf ogt, %select_n3A_462, %select_n3A_459 : vector<16xf32>
        %select_n3A_465 = arith.select %gt3A_464, %select_n3A_462, %select_n3A_459 : vector<16xi1>, vector<16xf32>
        %select_n3A_466 = arith.select %gt3A_464, %select_n3A_463, %select_n3A_460 : vector<16xi1>, vector<16xi32>
        %gt3A_467 = arith.cmpf ogt, %get3A_454, %select_n3A_465 : vector<16xf32>
        %select_n3A_468 = arith.select %gt3A_467, %get3A_454, %select_n3A_465 : vector<16xi1>, vector<16xf32>
        %select_n3A_469 = arith.select %gt3A_467, %add3A_457, %select_n3A_466 : vector<16xi1>, vector<16xi32>
        %reduce_max3A_470 = arith.constant true
        %reduce_max3A_471 = vector.broadcast %reduce_max3A_470 : i1 to vector<16xi1>
        %reduce_max3A_472 = tpu.scan <max>, %select_n3A_468 masked %reduce_max3A_471 : vector<16xf32>, vector<16xi1> -> vector<16xf32>
        %reduce_max3A_473 = vector.extract %reduce_max3A_472[15] : f32 from vector<16xf32>
        %eq3A_474 = vector.broadcast %reduce_max3A_473 : f32 to vector<16xf32>
        %eq3A_475 = arith.cmpf oeq, %select_n3A_468, %eq3A_474 : vector<16xf32>
        %broadcast_in_dim3A_476 = vector.broadcast %cond3A : i32 to vector<16xi32>
        %select_n3A_477 = arith.select %eq3A_475, %select_n3A_469, %broadcast_in_dim3A_476 : vector<16xi1>, vector<16xi32>
        %reduce_min3A_478 = arith.constant true
        %reduce_min3A_479 = vector.broadcast %reduce_min3A_478 : i1 to vector<16xi1>
        %reduce_min3A_480 = arith.constant -2147483648 : i32
        %reduce_min3A_481 = vector.broadcast %reduce_min3A_480 : i32 to vector<16xi32>
        %reduce_min3A_482 = arith.xori %select_n3A_477, %reduce_min3A_481 : vector<16xi32>
        %reduce_min3A_483 = tpu.scan <min>, %reduce_min3A_482 masked %reduce_min3A_479 : vector<16xi32>, vector<16xi1> -> vector<16xi32>
        %reduce_min3A_484 = arith.xori %reduce_min3A_483, %reduce_min3A_481 : vector<16xi32>
        %reduce_min3A_485 = vector.extract %reduce_min3A_484[15] : i32 from vector<16xi32>
        %mul3A_486 = arith.constant 16 : i32
        %mul3A_487 = arith.muli %reduce_min3A_485, %mul3A_486 : i32
        %add3A_488 = vector.broadcast %mul3A_487 : i32 to vector<16xi32>
        %add3A_489 = arith.addi %add3A_488, %iota3A : vector<16xi32>
        %gather3A_490 = tpu.vector_load_idx %arg7[%add3A_489] : memref<1280xf32, #tpu.memory_space<vmem>>[vector<16xi32>], vector<16xf32>,
        %reduce_max3A_491 = arith.constant true
        %reduce_max3A_492 = vector.broadcast %reduce_max3A_491 : i1 to vector<16xi1>
        %reduce_max3A_493 = tpu.scan <max>, %gather3A_490 masked %reduce_max3A_492 : vector<16xf32>, vector<16xi1> -> vector<16xf32>
        %reduce_max3A_494 = vector.extract %reduce_max3A_493[15] : f32 from vector<16xf32>
        %eq3A_495 = vector.broadcast %reduce_max3A_494 : f32 to vector<16xf32>
        %eq3A_496 = arith.cmpf oeq, %gather3A_490, %eq3A_495 : vector<16xf32>
        %all_reduce_ffs3A_497 = tpu.all_reduce %eq3A_496 {dim = 0 : i64, kind = #tpu.reduction_kind<find_first_set>} : vector<16xi1> -> vector<16xi32>
        %mul3A_498 = arith.constant 16 : i32
        %mul3A_499 = arith.muli %reduce_min3A_485, %mul3A_498 : i32
        %add3A_500 = vector.broadcast %mul3A_499 : i32 to vector<16xi32>
        %add3A_501 = arith.addi %add3A_500, %all_reduce_ffs3A_497 : vector<16xi32>
        %mul3A_502 = arith.constant 16 : i32
        %mul3A_503 = vector.broadcast %mul3A_502 : i32 to vector<16xi32>
        %mul3A_504 = arith.muli %add3A_501, %mul3A_503 : vector<16xi32>
        %add3A_505 = arith.addi %mul3A_504, %iota3A : vector<16xi32>
        %gather3A_506 = tpu.vector_load_idx %arg5[%add3A_505] : memref<20224xf32, #tpu.memory_space<vmem>>[vector<16xi32>], vector<16xf32>,
        %reduce_max3A_507 = arith.constant true
        %reduce_max3A_508 = vector.broadcast %reduce_max3A_507 : i1 to vector<16xi1>
        %reduce_max3A_509 = tpu.scan <max>, %gather3A_506 masked %reduce_max3A_508 : vector<16xf32>, vector<16xi1> -> vector<16xf32>
        %reduce_max3A_510 = vector.extract %reduce_max3A_509[15] : f32 from vector<16xf32>
        %eq3A_511 = vector.broadcast %reduce_max3A_510 : f32 to vector<16xf32>
        %eq3A_512 = arith.cmpf oeq, %gather3A_506, %eq3A_511 : vector<16xf32>
        %all_reduce_ffs3A_513 = tpu.all_reduce %eq3A_512 {dim = 0 : i64, kind = #tpu.reduction_kind<find_first_set>} : vector<16xi1> -> vector<16xi32>
        %mul3A_514 = arith.constant 16 : i32
        %mul3A_515 = vector.broadcast %mul3A_514 : i32 to vector<16xi32>
        %mul3A_516 = arith.muli %add3A_501, %mul3A_515 : vector<16xi32>
        %add3A_517 = arith.addi %mul3A_516, %all_reduce_ffs3A_513 : vector<16xi32>
        %broadcast_in_dim3A_518 = arith.constant 0xFF800000 : f32
        %broadcast_in_dim3A_519 = vector.broadcast %broadcast_in_dim3A_518 : f32 to vector<16xf32>
        tpu.vector_store_idx %arg5[%add3A_517], %broadcast_in_dim3A_519 : memref<20224xf32, #tpu.memory_space<vmem>>[vector<16xi32>], vector<16xf32>,
        %eq3A_520 = arith.cmpi eq, %iota3A, %all_reduce_ffs3A_513 : vector<16xi32>
        %jit3A_521 = arith.constant 0xFF800000 : f32
        %broadcast_in_dim3A_522 = vector.broadcast %jit3A_521 : f32 to vector<16xf32>
        %select_n3A_523 = arith.select %eq3A_520, %broadcast_in_dim3A_522, %gather3A_506 : vector<16xi1>, vector<16xf32>
        %reduce_max3A_524 = arith.constant true
        %reduce_max3A_525 = vector.broadcast %reduce_max3A_524 : i1 to vector<16xi1>
        %reduce_max3A_526 = tpu.scan <max>, %select_n3A_523 masked %reduce_max3A_525 : vector<16xf32>, vector<16xi1> -> vector<16xf32>
        %reduce_max3A_527 = vector.extract %reduce_max3A_526[15] : f32 from vector<16xf32>
        %broadcast_in_dim3A_528 = vector.broadcast %reduce_max3A_527 : f32 to vector<16xf32>
        tpu.vector_store_idx %arg7[%add3A_501], %broadcast_in_dim3A_528 : memref<1280xf32, #tpu.memory_space<vmem>>[vector<16xi32>], vector<16xf32>,
        %eq3A_529 = arith.cmpi eq, %iota3A, %all_reduce_ffs3A_497 : vector<16xi32>
        %broadcast_in_dim3A_530 = vector.broadcast %reduce_max3A_527 : f32 to vector<16xf32>
        %select_n3A_531 = arith.select %eq3A_529, %broadcast_in_dim3A_530, %gather3A_490 : vector<16xi1>, vector<16xf32>
        %broadcast_in_dim3A_532 = vector.broadcast %reduce_min3A_485 : i32 to vector<16xi32>
        %reduce_max3A_533 = arith.constant true
        %reduce_max3A_534 = vector.broadcast %reduce_max3A_533 : i1 to vector<16xi1>
        %reduce_max3A_535 = tpu.scan <max>, %select_n3A_531 masked %reduce_max3A_534 : vector<16xf32>, vector<16xi1> -> vector<16xf32>
        %reduce_max3A_536 = vector.extract %reduce_max3A_535[15] : f32 from vector<16xf32>
        %broadcast_in_dim3A_537 = vector.broadcast %reduce_max3A_536 : f32 to vector<16xf32>
        tpu.vector_store_idx %arg8[%broadcast_in_dim3A_532], %broadcast_in_dim3A_537 : memref<80xf32, #tpu.memory_space<vmem>>[vector<16xi32>], vector<16xf32>,
        %broadcast_in_dim3A_538 = arith.constant 0 : i32
        %broadcast_in_dim3A_539 = vector.broadcast %broadcast_in_dim3A_538 : i32 to vector<16xi32>
        %gather3A_540 = tpu.vector_load_idx %arg6[%broadcast_in_dim3A_539, %add3A_517] : memref<4x20000xf32, #tpu.memory_space<vmem>>[vector<16xi32>, vector<16xi32>], vector<16xf32>,
        %broadcast_in_dim3A_541 = arith.constant 1 : i32
        %broadcast_in_dim3A_542 = vector.broadcast %broadcast_in_dim3A_541 : i32 to vector<16xi32>
        %gather3A_543 = tpu.vector_load_idx %arg6[%broadcast_in_dim3A_542, %add3A_517] : memref<4x20000xf32, #tpu.memory_space<vmem>>[vector<16xi32>, vector<16xi32>], vector<16xf32>,
        %broadcast_in_dim3A_544 = arith.constant 2 : i32
        %broadcast_in_dim3A_545 = vector.broadcast %broadcast_in_dim3A_544 : i32 to vector<16xi32>
        %gather3A_546 = tpu.vector_load_idx %arg6[%broadcast_in_dim3A_545, %add3A_517] : memref<4x20000xf32, #tpu.memory_space<vmem>>[vector<16xi32>, vector<16xi32>], vector<16xf32>,
        %broadcast_in_dim3A_547 = arith.constant 3 : i32
        %broadcast_in_dim3A_548 = vector.broadcast %broadcast_in_dim3A_547 : i32 to vector<16xi32>
        %gather3A_549 = tpu.vector_load_idx %arg6[%broadcast_in_dim3A_548, %add3A_517] : memref<4x20000xf32, #tpu.memory_space<vmem>>[vector<16xi32>, vector<16xi32>], vector<16xf32>,
        %add3A_550 = arith.constant 1.000000e+00 : f32
        %add3A_551 = vector.broadcast %add3A_550 : f32 to vector<16xf32>
        %add3A_552 = arith.addf %gather3A_546, %add3A_551 : vector<16xf32>
        %add3A_553 = arith.constant 1.000000e+00 : f32
        %add3A_554 = vector.broadcast %add3A_553 : f32 to vector<16xf32>
        %add3A_555 = arith.addf %gather3A_549, %add3A_554 : vector<16xf32>
        %sub3A_556 = arith.subf %add3A_552, %gather3A_540 : vector<16xf32>
        %sub3A_557 = arith.subf %add3A_555, %gather3A_543 : vector<16xf32>
        %mul3A_558 = arith.mulf %sub3A_556, %sub3A_557 : vector<16xf32>
        %mul3A_559 = vector.broadcast %cond3A_3 : f32 to vector<16xf32>
        %mul3A_560 = arith.mulf %mul3A_559, %mul3A_558 : vector<16xf32>
        %add3A_561 = arith.constant 15 : i32
        %add3A_562 = arith.addi %while3A_57, %add3A_561 : i32
        %jit3A_563 = arith.constant 16 : i32
        %div3A = arith.divsi %add3A_562, %jit3A_563 : i32
        %sign3A = arith.constant 0 : i32
        %sign3A_564 = arith.cmpi sgt, %add3A_562, %sign3A : i32
        %sign3A_565 = arith.extui %sign3A_564 : i1 to i32
        %sign3A_566 = arith.constant 0 : i32
        %sign3A_567 = arith.cmpi slt, %add3A_562, %sign3A_566 : i32
        %sign3A_568 = arith.extui %sign3A_567 : i1 to i32
        %sign3A_569 = arith.subi %sign3A_565, %sign3A_568 : i32
        %sign3A_570 = arith.constant 0 : i32
        %sign3A_571 = arith.cmpi sgt, %jit3A_563, %sign3A_570 : i32
        %sign3A_572 = arith.extui %sign3A_571 : i1 to i32
        %sign3A_573 = arith.constant 0 : i32
        %sign3A_574 = arith.cmpi slt, %jit3A_563, %sign3A_573 : i32
        %sign3A_575 = arith.extui %sign3A_574 : i1 to i32
        %sign3A_576 = arith.subi %sign3A_572, %sign3A_575 : i32
        %ne3A = arith.cmpi ne, %sign3A_569, %sign3A_576 : i32
        %rem3A = arith.remsi %add3A_562, %jit3A_563 : i32
        %ne3A_577 = arith.constant 0 : i32
        %ne3A_578 = arith.cmpi ne, %rem3A, %ne3A_577 : i32
        %and3A_579 = arith.andi %ne3A, %ne3A_578 : i1
        %sub3A_580 = arith.constant 1 : i32
        %sub3A_581 = arith.subi %div3A, %sub3A_580 : i32
        %select_n3A_582 = arith.select %and3A_579, %sub3A_581, %div3A : i32
        %broadcast_in_dim3A_583 = arith.constant false
        %broadcast_in_dim3A_584 = vector.broadcast %broadcast_in_dim3A_583 : i1 to vector<16xi1>
        %while3A_585 = arith.constant 0 : i32
        %while3A_586 = arith.subi %select_n3A_582, %while3A_585 : i32
        %while3A_587 = arith.addi %while3A_585, %while3A_586 : i32
        %while3A_588 = arith.constant 1 : i32
        %while3A_589 = arith.divsi %while3A_586, %while3A_588 : i32
        %while3A_590 = arith.muli %while3A_589, %while3A_588 : i32
        %while3A_591 = arith.addi %while3A_585, %while3A_590 : i32
        %while3A_592 = arith.constant 1 : i32
        %while3A_593:4 = scf.for %while3A_869 = %while3A_585 to %while3A_591 step %while3A_592 iter_args(%while3A_870 = %broadcast_in_dim3A_584, %while3A_871 = %broadcast_in_dim3A_584, %while3A_872 = %broadcast_in_dim3A_584, %while3A_873 = %broadcast_in_dim3A_584) -> (vector<16xi1>, vector<16xi1>, vector<16xi1>, vector<16xi1>)  : i32 {
          %mul3A_874 = arith.constant 16 : i32
          %mul3A_875 = arith.muli %while3A_869, %mul3A_874 : i32
          %add3A_876 = vector.broadcast %mul3A_875 : i32 to vector<16xi32>
          %add3A_877 = arith.addi %add3A_876, %iota3A : vector<16xi32>
          %broadcast_in_dim3A_878 = arith.constant 0 : i32
          %broadcast_in_dim3A_879 = vector.broadcast %broadcast_in_dim3A_878 : i32 to vector<16xi32>
          %gather3A_880 = tpu.vector_load_idx %arg9[%broadcast_in_dim3A_879, %add3A_877] : memref<4x336xf32, #tpu.memory_space<vmem>>[vector<16xi32>, vector<16xi32>], vector<16xf32>,
          %broadcast_in_dim3A_881 = arith.constant 1 : i32
          %broadcast_in_dim3A_882 = vector.broadcast %broadcast_in_dim3A_881 : i32 to vector<16xi32>
          %gather3A_883 = tpu.vector_load_idx %arg9[%broadcast_in_dim3A_882, %add3A_877] : memref<4x336xf32, #tpu.memory_space<vmem>>[vector<16xi32>, vector<16xi32>], vector<16xf32>,
          %gather3A_884 = tpu.vector_load_idx %arg10[%add3A_877] : memref<336xf32, #tpu.memory_space<vmem>>[vector<16xi32>], vector<16xf32>,
          %gather3A_885 = tpu.vector_load_idx %arg11[%add3A_877] : memref<336xf32, #tpu.memory_space<vmem>>[vector<16xi32>], vector<16xf32>,
          %gather3A_886 = tpu.vector_load_idx %arg12[%add3A_877] : memref<336xf32, #tpu.memory_space<vmem>>[vector<16xi32>], vector<16xf32>,
          %min3A_887 = arith.minimumf %add3A_169, %gather3A_884 : vector<16xf32>
          %max3A_888 = arith.maximumf %gather3A_157, %gather3A_880 : vector<16xf32>
          %sub3A_889 = arith.subf %min3A_887, %max3A_888 : vector<16xf32>
          %max3A_890 = arith.constant 0.000000e+00 : f32
          %max3A_891 = vector.broadcast %max3A_890 : f32 to vector<16xf32>
          %max3A_892 = arith.maximumf %max3A_891, %sub3A_889 : vector<16xf32>
          %min3A_893 = arith.minimumf %add3A_172, %gather3A_885 : vector<16xf32>
          %max3A_894 = arith.maximumf %gather3A_160, %gather3A_883 : vector<16xf32>
          %sub3A_895 = arith.subf %min3A_893, %max3A_894 : vector<16xf32>
          %max3A_896 = arith.constant 0.000000e+00 : f32
          %max3A_897 = vector.broadcast %max3A_896 : f32 to vector<16xf32>
          %max3A_898 = arith.maximumf %max3A_897, %sub3A_895 : vector<16xf32>
          %mul3A_899 = arith.mulf %max3A_892, %max3A_898 : vector<16xf32>
          %mul3A_900 = vector.broadcast %cond3A_4 : f32 to vector<16xf32>
          %mul3A_901 = arith.mulf %mul3A_900, %mul3A_899 : vector<16xf32>
          %add3A_902 = arith.addf %mul3A_176, %gather3A_886 : vector<16xf32>
          %gt3A_903 = arith.cmpf ogt, %mul3A_901, %add3A_902 : vector<16xf32>
          %or3A = arith.ori %while3A_870, %gt3A_903 : vector<16xi1>
          %min3A_904 = arith.minimumf %add3A_296, %gather3A_884 : vector<16xf32>
          %max3A_905 = arith.maximumf %gather3A_284, %gather3A_880 : vector<16xf32>
          %sub3A_906 = arith.subf %min3A_904, %max3A_905 : vector<16xf32>
          %max3A_907 = arith.constant 0.000000e+00 : f32
          %max3A_908 = vector.broadcast %max3A_907 : f32 to vector<16xf32>
          %max3A_909 = arith.maximumf %max3A_908, %sub3A_906 : vector<16xf32>
          %min3A_910 = arith.minimumf %add3A_299, %gather3A_885 : vector<16xf32>
          %max3A_911 = arith.maximumf %gather3A_287, %gather3A_883 : vector<16xf32>
          %sub3A_912 = arith.subf %min3A_910, %max3A_911 : vector<16xf32>
          %max3A_913 = arith.constant 0.000000e+00 : f32
          %max3A_914 = vector.broadcast %max3A_913 : f32 to vector<16xf32>
          %max3A_915 = arith.maximumf %max3A_914, %sub3A_912 : vector<16xf32>
          %mul3A_916 = arith.mulf %max3A_909, %max3A_915 : vector<16xf32>
          %mul3A_917 = vector.broadcast %cond3A_4 : f32 to vector<16xf32>
          %mul3A_918 = arith.mulf %mul3A_917, %mul3A_916 : vector<16xf32>
          %add3A_919 = arith.addf %mul3A_304, %gather3A_886 : vector<16xf32>
          %gt3A_920 = arith.cmpf ogt, %mul3A_918, %add3A_919 : vector<16xf32>
          %or3A_921 = arith.ori %while3A_871, %gt3A_920 : vector<16xi1>
          %min3A_922 = arith.minimumf %add3A_424, %gather3A_884 : vector<16xf32>
          %max3A_923 = arith.maximumf %gather3A_412, %gather3A_880 : vector<16xf32>
          %sub3A_924 = arith.subf %min3A_922, %max3A_923 : vector<16xf32>
          %max3A_925 = arith.constant 0.000000e+00 : f32
          %max3A_926 = vector.broadcast %max3A_925 : f32 to vector<16xf32>
          %max3A_927 = arith.maximumf %max3A_926, %sub3A_924 : vector<16xf32>
          %min3A_928 = arith.minimumf %add3A_427, %gather3A_885 : vector<16xf32>
          %max3A_929 = arith.maximumf %gather3A_415, %gather3A_883 : vector<16xf32>
          %sub3A_930 = arith.subf %min3A_928, %max3A_929 : vector<16xf32>
          %max3A_931 = arith.constant 0.000000e+00 : f32
          %max3A_932 = vector.broadcast %max3A_931 : f32 to vector<16xf32>
          %max3A_933 = arith.maximumf %max3A_932, %sub3A_930 : vector<16xf32>
          %mul3A_934 = arith.mulf %max3A_927, %max3A_933 : vector<16xf32>
          %mul3A_935 = vector.broadcast %cond3A_4 : f32 to vector<16xf32>
          %mul3A_936 = arith.mulf %mul3A_935, %mul3A_934 : vector<16xf32>
          %add3A_937 = arith.addf %mul3A_432, %gather3A_886 : vector<16xf32>
          %gt3A_938 = arith.cmpf ogt, %mul3A_936, %add3A_937 : vector<16xf32>
          %or3A_939 = arith.ori %while3A_872, %gt3A_938 : vector<16xi1>
          %min3A_940 = arith.minimumf %add3A_552, %gather3A_884 : vector<16xf32>
          %max3A_941 = arith.maximumf %gather3A_540, %gather3A_880 : vector<16xf32>
          %sub3A_942 = arith.subf %min3A_940, %max3A_941 : vector<16xf32>
          %max3A_943 = arith.constant 0.000000e+00 : f32
          %max3A_944 = vector.broadcast %max3A_943 : f32 to vector<16xf32>
          %max3A_945 = arith.maximumf %max3A_944, %sub3A_942 : vector<16xf32>
          %min3A_946 = arith.minimumf %add3A_555, %gather3A_885 : vector<16xf32>
          %max3A_947 = arith.maximumf %gather3A_543, %gather3A_883 : vector<16xf32>
          %sub3A_948 = arith.subf %min3A_946, %max3A_947 : vector<16xf32>
          %max3A_949 = arith.constant 0.000000e+00 : f32
          %max3A_950 = vector.broadcast %max3A_949 : f32 to vector<16xf32>
          %max3A_951 = arith.maximumf %max3A_950, %sub3A_948 : vector<16xf32>
          %mul3A_952 = arith.mulf %max3A_945, %max3A_951 : vector<16xf32>
          %mul3A_953 = vector.broadcast %cond3A_4 : f32 to vector<16xf32>
          %mul3A_954 = arith.mulf %mul3A_953, %mul3A_952 : vector<16xf32>
          %add3A_955 = arith.addf %mul3A_560, %gather3A_886 : vector<16xf32>
          %gt3A_956 = arith.cmpf ogt, %mul3A_954, %add3A_955 : vector<16xf32>
          %or3A_957 = arith.ori %while3A_873, %gt3A_956 : vector<16xi1>
          scf.yield %or3A, %or3A_921, %or3A_939, %or3A_957 : vector<16xi1>, vector<16xi1>, vector<16xi1>, vector<16xi1>
        }
        %while3A_594 = arith.constant 1 : i32
        %while3A_595:4 = scf.for %while3A_869 = %while3A_591 to %while3A_587 step %while3A_594 iter_args(%while3A_870 = %while3A_593#0, %while3A_871 = %while3A_593#1, %while3A_872 = %while3A_593#2, %while3A_873 = %while3A_593#3) -> (vector<16xi1>, vector<16xi1>, vector<16xi1>, vector<16xi1>)  : i32 {
          %mul3A_874 = arith.constant 16 : i32
          %mul3A_875 = arith.muli %while3A_869, %mul3A_874 : i32
          %add3A_876 = vector.broadcast %mul3A_875 : i32 to vector<16xi32>
          %add3A_877 = arith.addi %add3A_876, %iota3A : vector<16xi32>
          %broadcast_in_dim3A_878 = arith.constant 0 : i32
          %broadcast_in_dim3A_879 = vector.broadcast %broadcast_in_dim3A_878 : i32 to vector<16xi32>
          %gather3A_880 = tpu.vector_load_idx %arg9[%broadcast_in_dim3A_879, %add3A_877] : memref<4x336xf32, #tpu.memory_space<vmem>>[vector<16xi32>, vector<16xi32>], vector<16xf32>,
          %broadcast_in_dim3A_881 = arith.constant 1 : i32
          %broadcast_in_dim3A_882 = vector.broadcast %broadcast_in_dim3A_881 : i32 to vector<16xi32>
          %gather3A_883 = tpu.vector_load_idx %arg9[%broadcast_in_dim3A_882, %add3A_877] : memref<4x336xf32, #tpu.memory_space<vmem>>[vector<16xi32>, vector<16xi32>], vector<16xf32>,
          %gather3A_884 = tpu.vector_load_idx %arg10[%add3A_877] : memref<336xf32, #tpu.memory_space<vmem>>[vector<16xi32>], vector<16xf32>,
          %gather3A_885 = tpu.vector_load_idx %arg11[%add3A_877] : memref<336xf32, #tpu.memory_space<vmem>>[vector<16xi32>], vector<16xf32>,
          %gather3A_886 = tpu.vector_load_idx %arg12[%add3A_877] : memref<336xf32, #tpu.memory_space<vmem>>[vector<16xi32>], vector<16xf32>,
          %min3A_887 = arith.minimumf %add3A_169, %gather3A_884 : vector<16xf32>
          %max3A_888 = arith.maximumf %gather3A_157, %gather3A_880 : vector<16xf32>
          %sub3A_889 = arith.subf %min3A_887, %max3A_888 : vector<16xf32>
          %max3A_890 = arith.constant 0.000000e+00 : f32
          %max3A_891 = vector.broadcast %max3A_890 : f32 to vector<16xf32>
          %max3A_892 = arith.maximumf %max3A_891, %sub3A_889 : vector<16xf32>
          %min3A_893 = arith.minimumf %add3A_172, %gather3A_885 : vector<16xf32>
          %max3A_894 = arith.maximumf %gather3A_160, %gather3A_883 : vector<16xf32>
          %sub3A_895 = arith.subf %min3A_893, %max3A_894 : vector<16xf32>
          %max3A_896 = arith.constant 0.000000e+00 : f32
          %max3A_897 = vector.broadcast %max3A_896 : f32 to vector<16xf32>
          %max3A_898 = arith.maximumf %max3A_897, %sub3A_895 : vector<16xf32>
          %mul3A_899 = arith.mulf %max3A_892, %max3A_898 : vector<16xf32>
          %mul3A_900 = vector.broadcast %cond3A_4 : f32 to vector<16xf32>
          %mul3A_901 = arith.mulf %mul3A_900, %mul3A_899 : vector<16xf32>
          %add3A_902 = arith.addf %mul3A_176, %gather3A_886 : vector<16xf32>
          %gt3A_903 = arith.cmpf ogt, %mul3A_901, %add3A_902 : vector<16xf32>
          %or3A = arith.ori %while3A_870, %gt3A_903 : vector<16xi1>
          %min3A_904 = arith.minimumf %add3A_296, %gather3A_884 : vector<16xf32>
          %max3A_905 = arith.maximumf %gather3A_284, %gather3A_880 : vector<16xf32>
          %sub3A_906 = arith.subf %min3A_904, %max3A_905 : vector<16xf32>
          %max3A_907 = arith.constant 0.000000e+00 : f32
          %max3A_908 = vector.broadcast %max3A_907 : f32 to vector<16xf32>
          %max3A_909 = arith.maximumf %max3A_908, %sub3A_906 : vector<16xf32>
          %min3A_910 = arith.minimumf %add3A_299, %gather3A_885 : vector<16xf32>
          %max3A_911 = arith.maximumf %gather3A_287, %gather3A_883 : vector<16xf32>
          %sub3A_912 = arith.subf %min3A_910, %max3A_911 : vector<16xf32>
          %max3A_913 = arith.constant 0.000000e+00 : f32
          %max3A_914 = vector.broadcast %max3A_913 : f32 to vector<16xf32>
          %max3A_915 = arith.maximumf %max3A_914, %sub3A_912 : vector<16xf32>
          %mul3A_916 = arith.mulf %max3A_909, %max3A_915 : vector<16xf32>
          %mul3A_917 = vector.broadcast %cond3A_4 : f32 to vector<16xf32>
          %mul3A_918 = arith.mulf %mul3A_917, %mul3A_916 : vector<16xf32>
          %add3A_919 = arith.addf %mul3A_304, %gather3A_886 : vector<16xf32>
          %gt3A_920 = arith.cmpf ogt, %mul3A_918, %add3A_919 : vector<16xf32>
          %or3A_921 = arith.ori %while3A_871, %gt3A_920 : vector<16xi1>
          %min3A_922 = arith.minimumf %add3A_424, %gather3A_884 : vector<16xf32>
          %max3A_923 = arith.maximumf %gather3A_412, %gather3A_880 : vector<16xf32>
          %sub3A_924 = arith.subf %min3A_922, %max3A_923 : vector<16xf32>
          %max3A_925 = arith.constant 0.000000e+00 : f32
          %max3A_926 = vector.broadcast %max3A_925 : f32 to vector<16xf32>
          %max3A_927 = arith.maximumf %max3A_926, %sub3A_924 : vector<16xf32>
          %min3A_928 = arith.minimumf %add3A_427, %gather3A_885 : vector<16xf32>
          %max3A_929 = arith.maximumf %gather3A_415, %gather3A_883 : vector<16xf32>
          %sub3A_930 = arith.subf %min3A_928, %max3A_929 : vector<16xf32>
          %max3A_931 = arith.constant 0.000000e+00 : f32
          %max3A_932 = vector.broadcast %max3A_931 : f32 to vector<16xf32>
          %max3A_933 = arith.maximumf %max3A_932, %sub3A_930 : vector<16xf32>
          %mul3A_934 = arith.mulf %max3A_927, %max3A_933 : vector<16xf32>
          %mul3A_935 = vector.broadcast %cond3A_4 : f32 to vector<16xf32>
          %mul3A_936 = arith.mulf %mul3A_935, %mul3A_934 : vector<16xf32>
          %add3A_937 = arith.addf %mul3A_432, %gather3A_886 : vector<16xf32>
          %gt3A_938 = arith.cmpf ogt, %mul3A_936, %add3A_937 : vector<16xf32>
          %or3A_939 = arith.ori %while3A_872, %gt3A_938 : vector<16xi1>
          %min3A_940 = arith.minimumf %add3A_552, %gather3A_884 : vector<16xf32>
          %max3A_941 = arith.maximumf %gather3A_540, %gather3A_880 : vector<16xf32>
          %sub3A_942 = arith.subf %min3A_940, %max3A_941 : vector<16xf32>
          %max3A_943 = arith.constant 0.000000e+00 : f32
          %max3A_944 = vector.broadcast %max3A_943 : f32 to vector<16xf32>
          %max3A_945 = arith.maximumf %max3A_944, %sub3A_942 : vector<16xf32>
          %min3A_946 = arith.minimumf %add3A_555, %gather3A_885 : vector<16xf32>
          %max3A_947 = arith.maximumf %gather3A_543, %gather3A_883 : vector<16xf32>
          %sub3A_948 = arith.subf %min3A_946, %max3A_947 : vector<16xf32>
          %max3A_949 = arith.constant 0.000000e+00 : f32
          %max3A_950 = vector.broadcast %max3A_949 : f32 to vector<16xf32>
          %max3A_951 = arith.maximumf %max3A_950, %sub3A_948 : vector<16xf32>
          %mul3A_952 = arith.mulf %max3A_945, %max3A_951 : vector<16xf32>
          %mul3A_953 = vector.broadcast %cond3A_4 : f32 to vector<16xf32>
          %mul3A_954 = arith.mulf %mul3A_953, %mul3A_952 : vector<16xf32>
          %add3A_955 = arith.addf %mul3A_560, %gather3A_886 : vector<16xf32>
          %gt3A_956 = arith.cmpf ogt, %mul3A_954, %add3A_955 : vector<16xf32>
          %or3A_957 = arith.ori %while3A_873, %gt3A_956 : vector<16xi1>
          scf.yield %or3A, %or3A_921, %or3A_939, %or3A_957 : vector<16xi1>, vector<16xi1>, vector<16xi1>, vector<16xi1>
        }
        %reduce_or3A = arith.constant 1.000000e+00 : f32
        %reduce_or3A_596 = arith.constant 0.000000e+00 : f32
        %reduce_or3A_597 = vector.broadcast %reduce_or3A : f32 to vector<16xf32>
        %reduce_or3A_598 = vector.broadcast %reduce_or3A_596 : f32 to vector<16xf32>
        %reduce_or3A_599 = arith.select %while3A_595#0, %reduce_or3A_597, %reduce_or3A_598 : vector<16xi1>, vector<16xf32>
        %reduce_or3A_600 = arith.constant true
        %reduce_or3A_601 = vector.broadcast %reduce_or3A_600 : i1 to vector<16xi1>
        %reduce_or3A_602 = tpu.scan <max>, %reduce_or3A_599 masked %reduce_or3A_601 : vector<16xf32>, vector<16xi1> -> vector<16xf32>
        %reduce_or3A_603 = vector.extract %reduce_or3A_602[15] : f32 from vector<16xf32>
        %reduce_or3A_604 = arith.constant 0.000000e+00 : f32
        %reduce_or3A_605 = arith.cmpf ogt, %reduce_or3A_603, %reduce_or3A_604 : f32
        %not3A = arith.constant true
        %not3A_606 = arith.xori %reduce_or3A_605, %not3A : i1
        %reduce_or3A_607 = arith.constant 1.000000e+00 : f32
        %reduce_or3A_608 = arith.constant 0.000000e+00 : f32
        %reduce_or3A_609 = vector.broadcast %reduce_or3A_607 : f32 to vector<16xf32>
        %reduce_or3A_610 = vector.broadcast %reduce_or3A_608 : f32 to vector<16xf32>
        %reduce_or3A_611 = arith.select %while3A_595#1, %reduce_or3A_609, %reduce_or3A_610 : vector<16xi1>, vector<16xf32>
        %reduce_or3A_612 = arith.constant true
        %reduce_or3A_613 = vector.broadcast %reduce_or3A_612 : i1 to vector<16xi1>
        %reduce_or3A_614 = tpu.scan <max>, %reduce_or3A_611 masked %reduce_or3A_613 : vector<16xf32>, vector<16xi1> -> vector<16xf32>
        %reduce_or3A_615 = vector.extract %reduce_or3A_614[15] : f32 from vector<16xf32>
        %reduce_or3A_616 = arith.constant 0.000000e+00 : f32
        %reduce_or3A_617 = arith.cmpf ogt, %reduce_or3A_615, %reduce_or3A_616 : f32
        %not3A_618 = arith.constant true
        %not3A_619 = arith.xori %reduce_or3A_617, %not3A_618 : i1
        %min3A = arith.minimumf %add3A_169, %add3A_296 : vector<16xf32>
        %max3A = arith.maximumf %gather3A_157, %gather3A_284 : vector<16xf32>
        %sub3A_620 = arith.subf %min3A, %max3A : vector<16xf32>
        %max3A_621 = arith.constant 0.000000e+00 : f32
        %max3A_622 = vector.broadcast %max3A_621 : f32 to vector<16xf32>
        %max3A_623 = arith.maximumf %max3A_622, %sub3A_620 : vector<16xf32>
        %min3A_624 = arith.minimumf %add3A_172, %add3A_299 : vector<16xf32>
        %max3A_625 = arith.maximumf %gather3A_160, %gather3A_287 : vector<16xf32>
        %sub3A_626 = arith.subf %min3A_624, %max3A_625 : vector<16xf32>
        %max3A_627 = arith.constant 0.000000e+00 : f32
        %max3A_628 = vector.broadcast %max3A_627 : f32 to vector<16xf32>
        %max3A_629 = arith.maximumf %max3A_628, %sub3A_626 : vector<16xf32>
        %mul3A_630 = arith.mulf %max3A_623, %max3A_629 : vector<16xf32>
        %mul3A_631 = vector.broadcast %cond3A_4 : f32 to vector<16xf32>
        %mul3A_632 = arith.mulf %mul3A_631, %mul3A_630 : vector<16xf32>
        %add3A_633 = arith.addf %mul3A_176, %mul3A_304 : vector<16xf32>
        %gt3A_634 = arith.cmpf ogt, %mul3A_632, %add3A_633 : vector<16xf32>
        %reduce_or3A_635 = arith.constant 1.000000e+00 : f32
        %reduce_or3A_636 = arith.constant 0.000000e+00 : f32
        %reduce_or3A_637 = vector.broadcast %reduce_or3A_635 : f32 to vector<16xf32>
        %reduce_or3A_638 = vector.broadcast %reduce_or3A_636 : f32 to vector<16xf32>
        %reduce_or3A_639 = arith.select %gt3A_634, %reduce_or3A_637, %reduce_or3A_638 : vector<16xi1>, vector<16xf32>
        %reduce_or3A_640 = arith.constant true
        %reduce_or3A_641 = vector.broadcast %reduce_or3A_640 : i1 to vector<16xi1>
        %reduce_or3A_642 = tpu.scan <max>, %reduce_or3A_639 masked %reduce_or3A_641 : vector<16xf32>, vector<16xi1> -> vector<16xf32>
        %reduce_or3A_643 = vector.extract %reduce_or3A_642[15] : f32 from vector<16xf32>
        %reduce_or3A_644 = arith.constant 0.000000e+00 : f32
        %reduce_or3A_645 = arith.cmpf ogt, %reduce_or3A_643, %reduce_or3A_644 : f32
        %and3A_646 = arith.andi %not3A_606, %reduce_or3A_645 : i1
        %not3A_647 = arith.constant true
        %not3A_648 = arith.xori %and3A_646, %not3A_647 : i1
        %and3A_649 = arith.andi %not3A_619, %not3A_648 : i1
        %reduce_or3A_650 = arith.constant 1.000000e+00 : f32
        %reduce_or3A_651 = arith.constant 0.000000e+00 : f32
        %reduce_or3A_652 = vector.broadcast %reduce_or3A_650 : f32 to vector<16xf32>
        %reduce_or3A_653 = vector.broadcast %reduce_or3A_651 : f32 to vector<16xf32>
        %reduce_or3A_654 = arith.select %while3A_595#2, %reduce_or3A_652, %reduce_or3A_653 : vector<16xi1>, vector<16xf32>
        %reduce_or3A_655 = arith.constant true
        %reduce_or3A_656 = vector.broadcast %reduce_or3A_655 : i1 to vector<16xi1>
        %reduce_or3A_657 = tpu.scan <max>, %reduce_or3A_654 masked %reduce_or3A_656 : vector<16xf32>, vector<16xi1> -> vector<16xf32>
        %reduce_or3A_658 = vector.extract %reduce_or3A_657[15] : f32 from vector<16xf32>
        %reduce_or3A_659 = arith.constant 0.000000e+00 : f32
        %reduce_or3A_660 = arith.cmpf ogt, %reduce_or3A_658, %reduce_or3A_659 : f32
        %not3A_661 = arith.constant true
        %not3A_662 = arith.xori %reduce_or3A_660, %not3A_661 : i1
        %min3A_663 = arith.minimumf %add3A_169, %add3A_424 : vector<16xf32>
        %max3A_664 = arith.maximumf %gather3A_157, %gather3A_412 : vector<16xf32>
        %sub3A_665 = arith.subf %min3A_663, %max3A_664 : vector<16xf32>
        %max3A_666 = arith.constant 0.000000e+00 : f32
        %max3A_667 = vector.broadcast %max3A_666 : f32 to vector<16xf32>
        %max3A_668 = arith.maximumf %max3A_667, %sub3A_665 : vector<16xf32>
        %min3A_669 = arith.minimumf %add3A_172, %add3A_427 : vector<16xf32>
        %max3A_670 = arith.maximumf %gather3A_160, %gather3A_415 : vector<16xf32>
        %sub3A_671 = arith.subf %min3A_669, %max3A_670 : vector<16xf32>
        %max3A_672 = arith.constant 0.000000e+00 : f32
        %max3A_673 = vector.broadcast %max3A_672 : f32 to vector<16xf32>
        %max3A_674 = arith.maximumf %max3A_673, %sub3A_671 : vector<16xf32>
        %mul3A_675 = arith.mulf %max3A_668, %max3A_674 : vector<16xf32>
        %mul3A_676 = vector.broadcast %cond3A_4 : f32 to vector<16xf32>
        %mul3A_677 = arith.mulf %mul3A_676, %mul3A_675 : vector<16xf32>
        %add3A_678 = arith.addf %mul3A_176, %mul3A_432 : vector<16xf32>
        %gt3A_679 = arith.cmpf ogt, %mul3A_677, %add3A_678 : vector<16xf32>
        %reduce_or3A_680 = arith.constant 1.000000e+00 : f32
        %reduce_or3A_681 = arith.constant 0.000000e+00 : f32
        %reduce_or3A_682 = vector.broadcast %reduce_or3A_680 : f32 to vector<16xf32>
        %reduce_or3A_683 = vector.broadcast %reduce_or3A_681 : f32 to vector<16xf32>
        %reduce_or3A_684 = arith.select %gt3A_679, %reduce_or3A_682, %reduce_or3A_683 : vector<16xi1>, vector<16xf32>
        %reduce_or3A_685 = arith.constant true
        %reduce_or3A_686 = vector.broadcast %reduce_or3A_685 : i1 to vector<16xi1>
        %reduce_or3A_687 = tpu.scan <max>, %reduce_or3A_684 masked %reduce_or3A_686 : vector<16xf32>, vector<16xi1> -> vector<16xf32>
        %reduce_or3A_688 = vector.extract %reduce_or3A_687[15] : f32 from vector<16xf32>
        %reduce_or3A_689 = arith.constant 0.000000e+00 : f32
        %reduce_or3A_690 = arith.cmpf ogt, %reduce_or3A_688, %reduce_or3A_689 : f32
        %and3A_691 = arith.andi %not3A_606, %reduce_or3A_690 : i1
        %not3A_692 = arith.constant true
        %not3A_693 = arith.xori %and3A_691, %not3A_692 : i1
        %and3A_694 = arith.andi %not3A_662, %not3A_693 : i1
        %min3A_695 = arith.minimumf %add3A_296, %add3A_424 : vector<16xf32>
        %max3A_696 = arith.maximumf %gather3A_284, %gather3A_412 : vector<16xf32>
        %sub3A_697 = arith.subf %min3A_695, %max3A_696 : vector<16xf32>
        %max3A_698 = arith.constant 0.000000e+00 : f32
        %max3A_699 = vector.broadcast %max3A_698 : f32 to vector<16xf32>
        %max3A_700 = arith.maximumf %max3A_699, %sub3A_697 : vector<16xf32>
        %min3A_701 = arith.minimumf %add3A_299, %add3A_427 : vector<16xf32>
        %max3A_702 = arith.maximumf %gather3A_287, %gather3A_415 : vector<16xf32>
        %sub3A_703 = arith.subf %min3A_701, %max3A_702 : vector<16xf32>
        %max3A_704 = arith.constant 0.000000e+00 : f32
        %max3A_705 = vector.broadcast %max3A_704 : f32 to vector<16xf32>
        %max3A_706 = arith.maximumf %max3A_705, %sub3A_703 : vector<16xf32>
        %mul3A_707 = arith.mulf %max3A_700, %max3A_706 : vector<16xf32>
        %mul3A_708 = vector.broadcast %cond3A_4 : f32 to vector<16xf32>
        %mul3A_709 = arith.mulf %mul3A_708, %mul3A_707 : vector<16xf32>
        %add3A_710 = arith.addf %mul3A_304, %mul3A_432 : vector<16xf32>
        %gt3A_711 = arith.cmpf ogt, %mul3A_709, %add3A_710 : vector<16xf32>
        %reduce_or3A_712 = arith.constant 1.000000e+00 : f32
        %reduce_or3A_713 = arith.constant 0.000000e+00 : f32
        %reduce_or3A_714 = vector.broadcast %reduce_or3A_712 : f32 to vector<16xf32>
        %reduce_or3A_715 = vector.broadcast %reduce_or3A_713 : f32 to vector<16xf32>
        %reduce_or3A_716 = arith.select %gt3A_711, %reduce_or3A_714, %reduce_or3A_715 : vector<16xi1>, vector<16xf32>
        %reduce_or3A_717 = arith.constant true
        %reduce_or3A_718 = vector.broadcast %reduce_or3A_717 : i1 to vector<16xi1>
        %reduce_or3A_719 = tpu.scan <max>, %reduce_or3A_716 masked %reduce_or3A_718 : vector<16xf32>, vector<16xi1> -> vector<16xf32>
        %reduce_or3A_720 = vector.extract %reduce_or3A_719[15] : f32 from vector<16xf32>
        %reduce_or3A_721 = arith.constant 0.000000e+00 : f32
        %reduce_or3A_722 = arith.cmpf ogt, %reduce_or3A_720, %reduce_or3A_721 : f32
        %and3A_723 = arith.andi %and3A_649, %reduce_or3A_722 : i1
        %not3A_724 = arith.constant true
        %not3A_725 = arith.xori %and3A_723, %not3A_724 : i1
        %and3A_726 = arith.andi %and3A_694, %not3A_725 : i1
        %reduce_or3A_727 = arith.constant 1.000000e+00 : f32
        %reduce_or3A_728 = arith.constant 0.000000e+00 : f32
        %reduce_or3A_729 = vector.broadcast %reduce_or3A_727 : f32 to vector<16xf32>
        %reduce_or3A_730 = vector.broadcast %reduce_or3A_728 : f32 to vector<16xf32>
        %reduce_or3A_731 = arith.select %while3A_595#3, %reduce_or3A_729, %reduce_or3A_730 : vector<16xi1>, vector<16xf32>
        %reduce_or3A_732 = arith.constant true
        %reduce_or3A_733 = vector.broadcast %reduce_or3A_732 : i1 to vector<16xi1>
        %reduce_or3A_734 = tpu.scan <max>, %reduce_or3A_731 masked %reduce_or3A_733 : vector<16xf32>, vector<16xi1> -> vector<16xf32>
        %reduce_or3A_735 = vector.extract %reduce_or3A_734[15] : f32 from vector<16xf32>
        %reduce_or3A_736 = arith.constant 0.000000e+00 : f32
        %reduce_or3A_737 = arith.cmpf ogt, %reduce_or3A_735, %reduce_or3A_736 : f32
        %not3A_738 = arith.constant true
        %not3A_739 = arith.xori %reduce_or3A_737, %not3A_738 : i1
        %min3A_740 = arith.minimumf %add3A_169, %add3A_552 : vector<16xf32>
        %max3A_741 = arith.maximumf %gather3A_157, %gather3A_540 : vector<16xf32>
        %sub3A_742 = arith.subf %min3A_740, %max3A_741 : vector<16xf32>
        %max3A_743 = arith.constant 0.000000e+00 : f32
        %max3A_744 = vector.broadcast %max3A_743 : f32 to vector<16xf32>
        %max3A_745 = arith.maximumf %max3A_744, %sub3A_742 : vector<16xf32>
        %min3A_746 = arith.minimumf %add3A_172, %add3A_555 : vector<16xf32>
        %max3A_747 = arith.maximumf %gather3A_160, %gather3A_543 : vector<16xf32>
        %sub3A_748 = arith.subf %min3A_746, %max3A_747 : vector<16xf32>
        %max3A_749 = arith.constant 0.000000e+00 : f32
        %max3A_750 = vector.broadcast %max3A_749 : f32 to vector<16xf32>
        %max3A_751 = arith.maximumf %max3A_750, %sub3A_748 : vector<16xf32>
        %mul3A_752 = arith.mulf %max3A_745, %max3A_751 : vector<16xf32>
        %mul3A_753 = vector.broadcast %cond3A_4 : f32 to vector<16xf32>
        %mul3A_754 = arith.mulf %mul3A_753, %mul3A_752 : vector<16xf32>
        %add3A_755 = arith.addf %mul3A_176, %mul3A_560 : vector<16xf32>
        %gt3A_756 = arith.cmpf ogt, %mul3A_754, %add3A_755 : vector<16xf32>
        %reduce_or3A_757 = arith.constant 1.000000e+00 : f32
        %reduce_or3A_758 = arith.constant 0.000000e+00 : f32
        %reduce_or3A_759 = vector.broadcast %reduce_or3A_757 : f32 to vector<16xf32>
        %reduce_or3A_760 = vector.broadcast %reduce_or3A_758 : f32 to vector<16xf32>
        %reduce_or3A_761 = arith.select %gt3A_756, %reduce_or3A_759, %reduce_or3A_760 : vector<16xi1>, vector<16xf32>
        %reduce_or3A_762 = arith.constant true
        %reduce_or3A_763 = vector.broadcast %reduce_or3A_762 : i1 to vector<16xi1>
        %reduce_or3A_764 = tpu.scan <max>, %reduce_or3A_761 masked %reduce_or3A_763 : vector<16xf32>, vector<16xi1> -> vector<16xf32>
        %reduce_or3A_765 = vector.extract %reduce_or3A_764[15] : f32 from vector<16xf32>
        %reduce_or3A_766 = arith.constant 0.000000e+00 : f32
        %reduce_or3A_767 = arith.cmpf ogt, %reduce_or3A_765, %reduce_or3A_766 : f32
        %and3A_768 = arith.andi %not3A_606, %reduce_or3A_767 : i1
        %not3A_769 = arith.constant true
        %not3A_770 = arith.xori %and3A_768, %not3A_769 : i1
        %and3A_771 = arith.andi %not3A_739, %not3A_770 : i1
        %min3A_772 = arith.minimumf %add3A_296, %add3A_552 : vector<16xf32>
        %max3A_773 = arith.maximumf %gather3A_284, %gather3A_540 : vector<16xf32>
        %sub3A_774 = arith.subf %min3A_772, %max3A_773 : vector<16xf32>
        %max3A_775 = arith.constant 0.000000e+00 : f32
        %max3A_776 = vector.broadcast %max3A_775 : f32 to vector<16xf32>
        %max3A_777 = arith.maximumf %max3A_776, %sub3A_774 : vector<16xf32>
        %min3A_778 = arith.minimumf %add3A_299, %add3A_555 : vector<16xf32>
        %max3A_779 = arith.maximumf %gather3A_287, %gather3A_543 : vector<16xf32>
        %sub3A_780 = arith.subf %min3A_778, %max3A_779 : vector<16xf32>
        %max3A_781 = arith.constant 0.000000e+00 : f32
        %max3A_782 = vector.broadcast %max3A_781 : f32 to vector<16xf32>
        %max3A_783 = arith.maximumf %max3A_782, %sub3A_780 : vector<16xf32>
        %mul3A_784 = arith.mulf %max3A_777, %max3A_783 : vector<16xf32>
        %mul3A_785 = vector.broadcast %cond3A_4 : f32 to vector<16xf32>
        %mul3A_786 = arith.mulf %mul3A_785, %mul3A_784 : vector<16xf32>
        %add3A_787 = arith.addf %mul3A_304, %mul3A_560 : vector<16xf32>
        %gt3A_788 = arith.cmpf ogt, %mul3A_786, %add3A_787 : vector<16xf32>
        %reduce_or3A_789 = arith.constant 1.000000e+00 : f32
        %reduce_or3A_790 = arith.constant 0.000000e+00 : f32
        %reduce_or3A_791 = vector.broadcast %reduce_or3A_789 : f32 to vector<16xf32>
        %reduce_or3A_792 = vector.broadcast %reduce_or3A_790 : f32 to vector<16xf32>
        %reduce_or3A_793 = arith.select %gt3A_788, %reduce_or3A_791, %reduce_or3A_792 : vector<16xi1>, vector<16xf32>
        %reduce_or3A_794 = arith.constant true
        %reduce_or3A_795 = vector.broadcast %reduce_or3A_794 : i1 to vector<16xi1>
        %reduce_or3A_796 = tpu.scan <max>, %reduce_or3A_793 masked %reduce_or3A_795 : vector<16xf32>, vector<16xi1> -> vector<16xf32>
        %reduce_or3A_797 = vector.extract %reduce_or3A_796[15] : f32 from vector<16xf32>
        %reduce_or3A_798 = arith.constant 0.000000e+00 : f32
        %reduce_or3A_799 = arith.cmpf ogt, %reduce_or3A_797, %reduce_or3A_798 : f32
        %and3A_800 = arith.andi %and3A_649, %reduce_or3A_799 : i1
        %not3A_801 = arith.constant true
        %not3A_802 = arith.xori %and3A_800, %not3A_801 : i1
        %and3A_803 = arith.andi %and3A_771, %not3A_802 : i1
        %min3A_804 = arith.minimumf %add3A_424, %add3A_552 : vector<16xf32>
        %max3A_805 = arith.maximumf %gather3A_412, %gather3A_540 : vector<16xf32>
        %sub3A_806 = arith.subf %min3A_804, %max3A_805 : vector<16xf32>
        %max3A_807 = arith.constant 0.000000e+00 : f32
        %max3A_808 = vector.broadcast %max3A_807 : f32 to vector<16xf32>
        %max3A_809 = arith.maximumf %max3A_808, %sub3A_806 : vector<16xf32>
        %min3A_810 = arith.minimumf %add3A_427, %add3A_555 : vector<16xf32>
        %max3A_811 = arith.maximumf %gather3A_415, %gather3A_543 : vector<16xf32>
        %sub3A_812 = arith.subf %min3A_810, %max3A_811 : vector<16xf32>
        %max3A_813 = arith.constant 0.000000e+00 : f32
        %max3A_814 = vector.broadcast %max3A_813 : f32 to vector<16xf32>
        %max3A_815 = arith.maximumf %max3A_814, %sub3A_812 : vector<16xf32>
        %mul3A_816 = arith.mulf %max3A_809, %max3A_815 : vector<16xf32>
        %mul3A_817 = vector.broadcast %cond3A_4 : f32 to vector<16xf32>
        %mul3A_818 = arith.mulf %mul3A_817, %mul3A_816 : vector<16xf32>
        %add3A_819 = arith.addf %mul3A_432, %mul3A_560 : vector<16xf32>
        %gt3A_820 = arith.cmpf ogt, %mul3A_818, %add3A_819 : vector<16xf32>
        %reduce_or3A_821 = arith.constant 1.000000e+00 : f32
        %reduce_or3A_822 = arith.constant 0.000000e+00 : f32
        %reduce_or3A_823 = vector.broadcast %reduce_or3A_821 : f32 to vector<16xf32>
        %reduce_or3A_824 = vector.broadcast %reduce_or3A_822 : f32 to vector<16xf32>
        %reduce_or3A_825 = arith.select %gt3A_820, %reduce_or3A_823, %reduce_or3A_824 : vector<16xi1>, vector<16xf32>
        %reduce_or3A_826 = arith.constant true
        %reduce_or3A_827 = vector.broadcast %reduce_or3A_826 : i1 to vector<16xi1>
        %reduce_or3A_828 = tpu.scan <max>, %reduce_or3A_825 masked %reduce_or3A_827 : vector<16xf32>, vector<16xi1> -> vector<16xf32>
        %reduce_or3A_829 = vector.extract %reduce_or3A_828[15] : f32 from vector<16xf32>
        %reduce_or3A_830 = arith.constant 0.000000e+00 : f32
        %reduce_or3A_831 = arith.cmpf ogt, %reduce_or3A_829, %reduce_or3A_830 : f32
        %and3A_832 = arith.andi %and3A_726, %reduce_or3A_831 : i1
        %not3A_833 = arith.constant true
        %not3A_834 = arith.xori %and3A_832, %not3A_833 : i1
        %and3A_835 = arith.andi %and3A_803, %not3A_834 : i1
        %lt3A = arith.constant 300 : i32
        %lt3A_836 = arith.cmpi slt, %while3A_57, %lt3A : i32
        %and3A_837 = arith.andi %not3A_606, %lt3A_836 : i1
        %convert_element_type3A_838 = arith.extui %and3A_837 : i1 to i32
        %cond3A_839 = arith.constant 0 : i32
        %cond3A_840 = arith.cmpi ne, %convert_element_type3A_838, %cond3A_839 : i32
        scf.if %cond3A_840 {
          %broadcast_in_dim3A_869 = vector.broadcast %while3A_57 : i32 to vector<16xi32>
          %broadcast_in_dim3A_870 = arith.constant 0 : i32
          %broadcast_in_dim3A_871 = vector.broadcast %broadcast_in_dim3A_870 : i32 to vector<16xi32>
          tpu.vector_store_idx %arg9[%broadcast_in_dim3A_871, %broadcast_in_dim3A_869], %gather3A_157 : memref<4x336xf32, #tpu.memory_space<vmem>>[vector<16xi32>, vector<16xi32>], vector<16xf32>,
          %broadcast_in_dim3A_872 = arith.constant 1 : i32
          %broadcast_in_dim3A_873 = vector.broadcast %broadcast_in_dim3A_872 : i32 to vector<16xi32>
          tpu.vector_store_idx %arg9[%broadcast_in_dim3A_873, %broadcast_in_dim3A_869], %gather3A_160 : memref<4x336xf32, #tpu.memory_space<vmem>>[vector<16xi32>, vector<16xi32>], vector<16xf32>,
          %broadcast_in_dim3A_874 = arith.constant 2 : i32
          %broadcast_in_dim3A_875 = vector.broadcast %broadcast_in_dim3A_874 : i32 to vector<16xi32>
          tpu.vector_store_idx %arg9[%broadcast_in_dim3A_875, %broadcast_in_dim3A_869], %gather3A_163 : memref<4x336xf32, #tpu.memory_space<vmem>>[vector<16xi32>, vector<16xi32>], vector<16xf32>,
          %broadcast_in_dim3A_876 = arith.constant 3 : i32
          %broadcast_in_dim3A_877 = vector.broadcast %broadcast_in_dim3A_876 : i32 to vector<16xi32>
          tpu.vector_store_idx %arg9[%broadcast_in_dim3A_877, %broadcast_in_dim3A_869], %gather3A_166 : memref<4x336xf32, #tpu.memory_space<vmem>>[vector<16xi32>, vector<16xi32>], vector<16xf32>,
          tpu.vector_store_idx %arg10[%broadcast_in_dim3A_869], %add3A_169 : memref<336xf32, #tpu.memory_space<vmem>>[vector<16xi32>], vector<16xf32>,
          tpu.vector_store_idx %arg11[%broadcast_in_dim3A_869], %add3A_172 : memref<336xf32, #tpu.memory_space<vmem>>[vector<16xi32>], vector<16xf32>,
          tpu.vector_store_idx %arg12[%broadcast_in_dim3A_869], %mul3A_176 : memref<336xf32, #tpu.memory_space<vmem>>[vector<16xi32>], vector<16xf32>,
        } else {
        }
        %convert_element_type3A_841 = arith.extui %and3A_837 : i1 to i32
        %add3A_842 = arith.addi %while3A_57, %convert_element_type3A_841 : i32
        %lt3A_843 = arith.constant 300 : i32
        %lt3A_844 = arith.cmpi slt, %add3A_842, %lt3A_843 : i32
        %and3A_845 = arith.andi %and3A_649, %lt3A_844 : i1
        %convert_element_type3A_846 = arith.extui %and3A_845 : i1 to i32
        %cond3A_847 = arith.constant 0 : i32
        %cond3A_848 = arith.cmpi ne, %convert_element_type3A_846, %cond3A_847 : i32
        scf.if %cond3A_848 {
          %broadcast_in_dim3A_869 = vector.broadcast %add3A_842 : i32 to vector<16xi32>
          %broadcast_in_dim3A_870 = arith.constant 0 : i32
          %broadcast_in_dim3A_871 = vector.broadcast %broadcast_in_dim3A_870 : i32 to vector<16xi32>
          tpu.vector_store_idx %arg9[%broadcast_in_dim3A_871, %broadcast_in_dim3A_869], %gather3A_284 : memref<4x336xf32, #tpu.memory_space<vmem>>[vector<16xi32>, vector<16xi32>], vector<16xf32>,
          %broadcast_in_dim3A_872 = arith.constant 1 : i32
          %broadcast_in_dim3A_873 = vector.broadcast %broadcast_in_dim3A_872 : i32 to vector<16xi32>
          tpu.vector_store_idx %arg9[%broadcast_in_dim3A_873, %broadcast_in_dim3A_869], %gather3A_287 : memref<4x336xf32, #tpu.memory_space<vmem>>[vector<16xi32>, vector<16xi32>], vector<16xf32>,
          %broadcast_in_dim3A_874 = arith.constant 2 : i32
          %broadcast_in_dim3A_875 = vector.broadcast %broadcast_in_dim3A_874 : i32 to vector<16xi32>
          tpu.vector_store_idx %arg9[%broadcast_in_dim3A_875, %broadcast_in_dim3A_869], %gather3A_290 : memref<4x336xf32, #tpu.memory_space<vmem>>[vector<16xi32>, vector<16xi32>], vector<16xf32>,
          %broadcast_in_dim3A_876 = arith.constant 3 : i32
          %broadcast_in_dim3A_877 = vector.broadcast %broadcast_in_dim3A_876 : i32 to vector<16xi32>
          tpu.vector_store_idx %arg9[%broadcast_in_dim3A_877, %broadcast_in_dim3A_869], %gather3A_293 : memref<4x336xf32, #tpu.memory_space<vmem>>[vector<16xi32>, vector<16xi32>], vector<16xf32>,
          tpu.vector_store_idx %arg10[%broadcast_in_dim3A_869], %add3A_296 : memref<336xf32, #tpu.memory_space<vmem>>[vector<16xi32>], vector<16xf32>,
          tpu.vector_store_idx %arg11[%broadcast_in_dim3A_869], %add3A_299 : memref<336xf32, #tpu.memory_space<vmem>>[vector<16xi32>], vector<16xf32>,
          tpu.vector_store_idx %arg12[%broadcast_in_dim3A_869], %mul3A_304 : memref<336xf32, #tpu.memory_space<vmem>>[vector<16xi32>], vector<16xf32>,
        } else {
        }
        %convert_element_type3A_849 = arith.extui %and3A_845 : i1 to i32
        %add3A_850 = arith.addi %add3A_842, %convert_element_type3A_849 : i32
        %lt3A_851 = arith.constant 300 : i32
        %lt3A_852 = arith.cmpi slt, %add3A_850, %lt3A_851 : i32
        %and3A_853 = arith.andi %and3A_726, %lt3A_852 : i1
        %convert_element_type3A_854 = arith.extui %and3A_853 : i1 to i32
        %cond3A_855 = arith.constant 0 : i32
        %cond3A_856 = arith.cmpi ne, %convert_element_type3A_854, %cond3A_855 : i32
        scf.if %cond3A_856 {
          %broadcast_in_dim3A_869 = vector.broadcast %add3A_850 : i32 to vector<16xi32>
          %broadcast_in_dim3A_870 = arith.constant 0 : i32
          %broadcast_in_dim3A_871 = vector.broadcast %broadcast_in_dim3A_870 : i32 to vector<16xi32>
          tpu.vector_store_idx %arg9[%broadcast_in_dim3A_871, %broadcast_in_dim3A_869], %gather3A_412 : memref<4x336xf32, #tpu.memory_space<vmem>>[vector<16xi32>, vector<16xi32>], vector<16xf32>,
          %broadcast_in_dim3A_872 = arith.constant 1 : i32
          %broadcast_in_dim3A_873 = vector.broadcast %broadcast_in_dim3A_872 : i32 to vector<16xi32>
          tpu.vector_store_idx %arg9[%broadcast_in_dim3A_873, %broadcast_in_dim3A_869], %gather3A_415 : memref<4x336xf32, #tpu.memory_space<vmem>>[vector<16xi32>, vector<16xi32>], vector<16xf32>,
          %broadcast_in_dim3A_874 = arith.constant 2 : i32
          %broadcast_in_dim3A_875 = vector.broadcast %broadcast_in_dim3A_874 : i32 to vector<16xi32>
          tpu.vector_store_idx %arg9[%broadcast_in_dim3A_875, %broadcast_in_dim3A_869], %gather3A_418 : memref<4x336xf32, #tpu.memory_space<vmem>>[vector<16xi32>, vector<16xi32>], vector<16xf32>,
          %broadcast_in_dim3A_876 = arith.constant 3 : i32
          %broadcast_in_dim3A_877 = vector.broadcast %broadcast_in_dim3A_876 : i32 to vector<16xi32>
          tpu.vector_store_idx %arg9[%broadcast_in_dim3A_877, %broadcast_in_dim3A_869], %gather3A_421 : memref<4x336xf32, #tpu.memory_space<vmem>>[vector<16xi32>, vector<16xi32>], vector<16xf32>,
          tpu.vector_store_idx %arg10[%broadcast_in_dim3A_869], %add3A_424 : memref<336xf32, #tpu.memory_space<vmem>>[vector<16xi32>], vector<16xf32>,
          tpu.vector_store_idx %arg11[%broadcast_in_dim3A_869], %add3A_427 : memref<336xf32, #tpu.memory_space<vmem>>[vector<16xi32>], vector<16xf32>,
          tpu.vector_store_idx %arg12[%broadcast_in_dim3A_869], %mul3A_432 : memref<336xf32, #tpu.memory_space<vmem>>[vector<16xi32>], vector<16xf32>,
        } else {
        }
        %convert_element_type3A_857 = arith.extui %and3A_853 : i1 to i32
        %add3A_858 = arith.addi %add3A_850, %convert_element_type3A_857 : i32
        %lt3A_859 = arith.constant 300 : i32
        %lt3A_860 = arith.cmpi slt, %add3A_858, %lt3A_859 : i32
        %and3A_861 = arith.andi %and3A_835, %lt3A_860 : i1
        %convert_element_type3A_862 = arith.extui %and3A_861 : i1 to i32
        %cond3A_863 = arith.constant 0 : i32
        %cond3A_864 = arith.cmpi ne, %convert_element_type3A_862, %cond3A_863 : i32
        scf.if %cond3A_864 {
          %broadcast_in_dim3A_869 = vector.broadcast %add3A_858 : i32 to vector<16xi32>
          %broadcast_in_dim3A_870 = arith.constant 0 : i32
          %broadcast_in_dim3A_871 = vector.broadcast %broadcast_in_dim3A_870 : i32 to vector<16xi32>
          tpu.vector_store_idx %arg9[%broadcast_in_dim3A_871, %broadcast_in_dim3A_869], %gather3A_540 : memref<4x336xf32, #tpu.memory_space<vmem>>[vector<16xi32>, vector<16xi32>], vector<16xf32>,
          %broadcast_in_dim3A_872 = arith.constant 1 : i32
          %broadcast_in_dim3A_873 = vector.broadcast %broadcast_in_dim3A_872 : i32 to vector<16xi32>
          tpu.vector_store_idx %arg9[%broadcast_in_dim3A_873, %broadcast_in_dim3A_869], %gather3A_543 : memref<4x336xf32, #tpu.memory_space<vmem>>[vector<16xi32>, vector<16xi32>], vector<16xf32>,
          %broadcast_in_dim3A_874 = arith.constant 2 : i32
          %broadcast_in_dim3A_875 = vector.broadcast %broadcast_in_dim3A_874 : i32 to vector<16xi32>
          tpu.vector_store_idx %arg9[%broadcast_in_dim3A_875, %broadcast_in_dim3A_869], %gather3A_546 : memref<4x336xf32, #tpu.memory_space<vmem>>[vector<16xi32>, vector<16xi32>], vector<16xf32>,
          %broadcast_in_dim3A_876 = arith.constant 3 : i32
          %broadcast_in_dim3A_877 = vector.broadcast %broadcast_in_dim3A_876 : i32 to vector<16xi32>
          tpu.vector_store_idx %arg9[%broadcast_in_dim3A_877, %broadcast_in_dim3A_869], %gather3A_549 : memref<4x336xf32, #tpu.memory_space<vmem>>[vector<16xi32>, vector<16xi32>], vector<16xf32>,
          tpu.vector_store_idx %arg10[%broadcast_in_dim3A_869], %add3A_552 : memref<336xf32, #tpu.memory_space<vmem>>[vector<16xi32>], vector<16xf32>,
          tpu.vector_store_idx %arg11[%broadcast_in_dim3A_869], %add3A_555 : memref<336xf32, #tpu.memory_space<vmem>>[vector<16xi32>], vector<16xf32>,
          tpu.vector_store_idx %arg12[%broadcast_in_dim3A_869], %mul3A_560 : memref<336xf32, #tpu.memory_space<vmem>>[vector<16xi32>], vector<16xf32>,
        } else {
        }
        %convert_element_type3A_865 = arith.extui %and3A_861 : i1 to i32
        %add3A_866 = arith.addi %add3A_858, %convert_element_type3A_865 : i32
        %add3A_867 = arith.constant 4 : i32
        %add3A_868 = arith.addi %while3A_58, %add3A_867 : i32
        scf.yield %add3A_866, %add3A_868 : i32, i32
      }
      %broadcast_in_dim3A_31 = arith.constant 0 : i32
      %broadcast_in_dim3A_32 = vector.broadcast %broadcast_in_dim3A_31 : i32 to vector<16xi32>
      %broadcast_in_dim3A_33 = arith.constant 0 : i32
      %broadcast_in_dim3A_34 = vector.broadcast %broadcast_in_dim3A_33 : i32 to vector<16xi32>
      %gather3A = tpu.vector_load_idx %arg9[%broadcast_in_dim3A_32, %broadcast_in_dim3A_34] : memref<4x336xf32, #tpu.memory_space<vmem>>[vector<16xi32>, vector<16xi32>], vector<16xf32>,
      %broadcast_in_dim3A_35 = arith.constant 1 : i32
      %broadcast_in_dim3A_36 = vector.broadcast %broadcast_in_dim3A_35 : i32 to vector<16xi32>
      %broadcast_in_dim3A_37 = arith.constant 0 : i32
      %broadcast_in_dim3A_38 = vector.broadcast %broadcast_in_dim3A_37 : i32 to vector<16xi32>
      %gather3A_39 = tpu.vector_load_idx %arg9[%broadcast_in_dim3A_36, %broadcast_in_dim3A_38] : memref<4x336xf32, #tpu.memory_space<vmem>>[vector<16xi32>, vector<16xi32>], vector<16xf32>,
      %broadcast_in_dim3A_40 = arith.constant 2 : i32
      %broadcast_in_dim3A_41 = vector.broadcast %broadcast_in_dim3A_40 : i32 to vector<16xi32>
      %broadcast_in_dim3A_42 = arith.constant 0 : i32
      %broadcast_in_dim3A_43 = vector.broadcast %broadcast_in_dim3A_42 : i32 to vector<16xi32>
      %gather3A_44 = tpu.vector_load_idx %arg9[%broadcast_in_dim3A_41, %broadcast_in_dim3A_43] : memref<4x336xf32, #tpu.memory_space<vmem>>[vector<16xi32>, vector<16xi32>], vector<16xf32>,
      %broadcast_in_dim3A_45 = arith.constant 3 : i32
      %broadcast_in_dim3A_46 = vector.broadcast %broadcast_in_dim3A_45 : i32 to vector<16xi32>
      %broadcast_in_dim3A_47 = arith.constant 0 : i32
      %broadcast_in_dim3A_48 = vector.broadcast %broadcast_in_dim3A_47 : i32 to vector<16xi32>
      %gather3A_49 = tpu.vector_load_idx %arg9[%broadcast_in_dim3A_46, %broadcast_in_dim3A_48] : memref<4x336xf32, #tpu.memory_space<vmem>>[vector<16xi32>, vector<16xi32>], vector<16xf32>,
      %scan3A_50 = arith.constant 0 : i32
      %scan3A_51 = arith.constant 0 : i32
      %scan3A_52 = arith.constant 21 : i32
      %scan3A_53 = arith.addi %scan3A_51, %scan3A_52 : i32
      %scan3A_54 = arith.constant 1 : i32
      %scan3A_55 = scf.for %scan3A_57 = %scan3A_51 to %scan3A_53 step %scan3A_54 iter_args(%scan3A_58 = %scan3A_50) -> (i32)  : i32 {
        %mul3A = arith.constant 16 : i32
        %mul3A_59 = arith.muli %scan3A_57, %mul3A : i32
        %add3A = vector.broadcast %mul3A_59 : i32 to vector<16xi32>
        %add3A_60 = arith.addi %add3A, %iota3A : vector<16xi32>
        %lt3A = vector.broadcast %while3A_30#0 : i32 to vector<16xi32>
        %lt3A_61 = arith.cmpi slt, %add3A_60, %lt3A : vector<16xi32>
        %broadcast_in_dim3A_62 = arith.constant 0 : i32
        %broadcast_in_dim3A_63 = vector.broadcast %broadcast_in_dim3A_62 : i32 to vector<16xi32>
        %gather3A_64 = tpu.vector_load_idx %arg9[%broadcast_in_dim3A_63, %add3A_60] : memref<4x336xf32, #tpu.memory_space<vmem>>[vector<16xi32>, vector<16xi32>], vector<16xf32>,
        %broadcast_in_dim3A_65 = arith.constant 0 : i32
        %broadcast_in_dim3A_66 = vector.broadcast %broadcast_in_dim3A_65 : i32 to vector<16xi32>
        %select_n3A = arith.select %lt3A_61, %gather3A_64, %gather3A : vector<16xi1>, vector<16xf32>
        tpu.vector_store_idx %arg9[%broadcast_in_dim3A_66, %add3A_60], %select_n3A : memref<4x336xf32, #tpu.memory_space<vmem>>[vector<16xi32>, vector<16xi32>], vector<16xf32>,
        %broadcast_in_dim3A_67 = arith.constant 1 : i32
        %broadcast_in_dim3A_68 = vector.broadcast %broadcast_in_dim3A_67 : i32 to vector<16xi32>
        %gather3A_69 = tpu.vector_load_idx %arg9[%broadcast_in_dim3A_68, %add3A_60] : memref<4x336xf32, #tpu.memory_space<vmem>>[vector<16xi32>, vector<16xi32>], vector<16xf32>,
        %broadcast_in_dim3A_70 = arith.constant 1 : i32
        %broadcast_in_dim3A_71 = vector.broadcast %broadcast_in_dim3A_70 : i32 to vector<16xi32>
        %select_n3A_72 = arith.select %lt3A_61, %gather3A_69, %gather3A_39 : vector<16xi1>, vector<16xf32>
        tpu.vector_store_idx %arg9[%broadcast_in_dim3A_71, %add3A_60], %select_n3A_72 : memref<4x336xf32, #tpu.memory_space<vmem>>[vector<16xi32>, vector<16xi32>], vector<16xf32>,
        %broadcast_in_dim3A_73 = arith.constant 2 : i32
        %broadcast_in_dim3A_74 = vector.broadcast %broadcast_in_dim3A_73 : i32 to vector<16xi32>
        %gather3A_75 = tpu.vector_load_idx %arg9[%broadcast_in_dim3A_74, %add3A_60] : memref<4x336xf32, #tpu.memory_space<vmem>>[vector<16xi32>, vector<16xi32>], vector<16xf32>,
        %broadcast_in_dim3A_76 = arith.constant 2 : i32
        %broadcast_in_dim3A_77 = vector.broadcast %broadcast_in_dim3A_76 : i32 to vector<16xi32>
        %select_n3A_78 = arith.select %lt3A_61, %gather3A_75, %gather3A_44 : vector<16xi1>, vector<16xf32>
        tpu.vector_store_idx %arg9[%broadcast_in_dim3A_77, %add3A_60], %select_n3A_78 : memref<4x336xf32, #tpu.memory_space<vmem>>[vector<16xi32>, vector<16xi32>], vector<16xf32>,
        %broadcast_in_dim3A_79 = arith.constant 3 : i32
        %broadcast_in_dim3A_80 = vector.broadcast %broadcast_in_dim3A_79 : i32 to vector<16xi32>
        %gather3A_81 = tpu.vector_load_idx %arg9[%broadcast_in_dim3A_80, %add3A_60] : memref<4x336xf32, #tpu.memory_space<vmem>>[vector<16xi32>, vector<16xi32>], vector<16xf32>,
        %broadcast_in_dim3A_82 = arith.constant 3 : i32
        %broadcast_in_dim3A_83 = vector.broadcast %broadcast_in_dim3A_82 : i32 to vector<16xi32>
        %select_n3A_84 = arith.select %lt3A_61, %gather3A_81, %gather3A_49 : vector<16xi1>, vector<16xf32>
        tpu.vector_store_idx %arg9[%broadcast_in_dim3A_83, %add3A_60], %select_n3A_84 : memref<4x336xf32, #tpu.memory_space<vmem>>[vector<16xi32>, vector<16xi32>], vector<16xf32>,
        %scan3A_85 = arith.constant 0 : i32
        scf.yield %scan3A_85 : i32
      }
      %scan3A_56 = arith.constant 21 : i32
      "tpu.region"() ({
        %run_scoped3A = tpu.sem_alloc : memref<!tpu.dma_semaphore, #tpu.memory_space<semaphore_mem>>
        tpu.enqueue_dma source(%arg9 : memref<4x336xf32, #tpu.memory_space<vmem>>) target(%arg4 : memref<4x336xf32, #tpu.memory_space<hbm>>) target_semaphore(%run_scoped3A : memref<!tpu.dma_semaphore, #tpu.memory_space<semaphore_mem>>)
        tpu.wait_dma2 semaphore(%run_scoped3A : memref<!tpu.dma_semaphore, #tpu.memory_space<semaphore_mem>>) src(%arg9 : memref<4x336xf32, #tpu.memory_space<vmem>>) dst(%arg4 : memref<4x336xf32, #tpu.memory_space<hbm>>)
        tpu.yield
      }) : () -> ()
    } else {
    }
    return
  }
}

module attributes {stable_mosaic.version = 14 : i64} {
  func.func @_decode_body(%arg0: memref<2xf32, #tpu.memory_space<smem>>, %arg1: memref<4x20000xf32, #tpu.memory_space<vmem>>, %arg2: memref<4x20000xf32, #tpu.memory_space<vmem>>, %arg3: memref<4x20000xf32, #tpu.memory_space<vmem>>) attributes {dimension_semantics = [], scalar_prefetch = 0 : i64, scratch_operands = 0 : i64, tpu.core_type = #tpu.core_type<tc>} {
    %get3A = arith.constant 0 : index
    %get3A_0 = arith.constant 0 : index
    %get3A_1 = vector.load %arg1[%get3A, %get3A_0] : memref<4x20000xf32, #tpu.memory_space<vmem>>, vector<4x20000xf32>
    %get3A_2 = arith.constant 0 : index
    %get3A_3 = arith.constant 0 : index
    %get3A_4 = vector.load %arg2[%get3A_2, %get3A_3] : memref<4x20000xf32, #tpu.memory_space<vmem>>, vector<4x20000xf32>
    %slice3A = vector.extract_strided_slice %get3A_1 {offsets = [0, 0], sizes = [1, 20000], strides = [1, 1]} : vector<4x20000xf32> to vector<1x20000xf32>
    %slice3A_5 = vector.extract_strided_slice %get3A_1 {offsets = [1, 0], sizes = [1, 20000], strides = [1, 1]} : vector<4x20000xf32> to vector<1x20000xf32>
    %slice3A_6 = vector.extract_strided_slice %get3A_1 {offsets = [2, 0], sizes = [1, 20000], strides = [1, 1]} : vector<4x20000xf32> to vector<1x20000xf32>
    %slice3A_7 = vector.extract_strided_slice %get3A_1 {offsets = [3, 0], sizes = [1, 20000], strides = [1, 1]} : vector<4x20000xf32> to vector<1x20000xf32>
    %sub3A = arith.subf %slice3A_6, %slice3A : vector<1x20000xf32>
    %add3A = arith.constant 1.000000e+00 : f32
    %add3A_8 = vector.broadcast %add3A : f32 to vector<1x20000xf32>
    %add3A_9 = arith.addf %sub3A, %add3A_8 : vector<1x20000xf32>
    %sub3A_10 = arith.subf %slice3A_7, %slice3A_5 : vector<1x20000xf32>
    %add3A_11 = arith.constant 1.000000e+00 : f32
    %add3A_12 = vector.broadcast %add3A_11 : f32 to vector<1x20000xf32>
    %add3A_13 = arith.addf %sub3A_10, %add3A_12 : vector<1x20000xf32>
    %mul3A = arith.constant 5.000000e-01 : f32
    %mul3A_14 = vector.broadcast %mul3A : f32 to vector<1x20000xf32>
    %mul3A_15 = arith.mulf %mul3A_14, %add3A_9 : vector<1x20000xf32>
    %add3A_16 = arith.addf %slice3A, %mul3A_15 : vector<1x20000xf32>
    %mul3A_17 = arith.constant 5.000000e-01 : f32
    %mul3A_18 = vector.broadcast %mul3A_17 : f32 to vector<1x20000xf32>
    %mul3A_19 = arith.mulf %mul3A_18, %add3A_13 : vector<1x20000xf32>
    %add3A_20 = arith.addf %slice3A_5, %mul3A_19 : vector<1x20000xf32>
    %slice3A_21 = vector.extract_strided_slice %get3A_4 {offsets = [0, 0], sizes = [1, 20000], strides = [1, 1]} : vector<4x20000xf32> to vector<1x20000xf32>
    %mul3A_22 = arith.mulf %slice3A_21, %add3A_9 : vector<1x20000xf32>
    %add3A_23 = arith.addf %mul3A_22, %add3A_16 : vector<1x20000xf32>
    %slice3A_24 = vector.extract_strided_slice %get3A_4 {offsets = [1, 0], sizes = [1, 20000], strides = [1, 1]} : vector<4x20000xf32> to vector<1x20000xf32>
    %mul3A_25 = arith.mulf %slice3A_24, %add3A_13 : vector<1x20000xf32>
    %add3A_26 = arith.addf %mul3A_25, %add3A_20 : vector<1x20000xf32>
    %slice3A_27 = vector.extract_strided_slice %get3A_4 {offsets = [2, 0], sizes = [1, 20000], strides = [1, 1]} : vector<4x20000xf32> to vector<1x20000xf32>
    %exp3A = math.exp %slice3A_27 : vector<1x20000xf32>
    %mul3A_28 = arith.mulf %exp3A, %add3A_9 : vector<1x20000xf32>
    %slice3A_29 = vector.extract_strided_slice %get3A_4 {offsets = [3, 0], sizes = [1, 20000], strides = [1, 1]} : vector<4x20000xf32> to vector<1x20000xf32>
    %exp3A_30 = math.exp %slice3A_29 : vector<1x20000xf32>
    %mul3A_31 = arith.mulf %exp3A_30, %add3A_13 : vector<1x20000xf32>
    %mul3A_32 = arith.constant 5.000000e-01 : f32
    %mul3A_33 = vector.broadcast %mul3A_32 : f32 to vector<1x20000xf32>
    %mul3A_34 = arith.mulf %mul3A_33, %mul3A_28 : vector<1x20000xf32>
    %sub3A_35 = arith.subf %add3A_23, %mul3A_34 : vector<1x20000xf32>
    %mul3A_36 = arith.constant 5.000000e-01 : f32
    %mul3A_37 = vector.broadcast %mul3A_36 : f32 to vector<1x20000xf32>
    %mul3A_38 = arith.mulf %mul3A_37, %mul3A_31 : vector<1x20000xf32>
    %sub3A_39 = arith.subf %add3A_26, %mul3A_38 : vector<1x20000xf32>
    %mul3A_40 = arith.constant 5.000000e-01 : f32
    %mul3A_41 = vector.broadcast %mul3A_40 : f32 to vector<1x20000xf32>
    %mul3A_42 = arith.mulf %mul3A_41, %mul3A_28 : vector<1x20000xf32>
    %add3A_43 = arith.addf %add3A_23, %mul3A_42 : vector<1x20000xf32>
    %mul3A_44 = arith.constant 5.000000e-01 : f32
    %mul3A_45 = vector.broadcast %mul3A_44 : f32 to vector<1x20000xf32>
    %mul3A_46 = arith.mulf %mul3A_45, %mul3A_31 : vector<1x20000xf32>
    %add3A_47 = arith.addf %add3A_26, %mul3A_46 : vector<1x20000xf32>
    %concatenate3A = tpu.concatenate %sub3A_35, %sub3A_39, %add3A_43, %add3A_47 in 0 : vector<1x20000xf32>, vector<1x20000xf32>, vector<1x20000xf32>, vector<1x20000xf32> -> vector<4x20000xf32>
    %iota3A = tpu.iota {dimensions = array<i32: 1>} : vector<4x20000xi32>
    %jit3A = arith.constant 2 : i32
    %eq3A = arith.constant 0 : i32
    %eq3A_48 = arith.cmpi eq, %jit3A, %eq3A : i32
    %jit3A_49 = arith.constant 1 : i32
    %select_n3A = arith.select %eq3A_48, %jit3A_49, %jit3A : i32
    %rem3A = vector.broadcast %select_n3A : i32 to vector<4x20000xi32>
    %rem3A_50 = arith.remsi %iota3A, %rem3A : vector<4x20000xi32>
    %ne3A = arith.constant 0 : i32
    %ne3A_51 = vector.broadcast %ne3A : i32 to vector<4x20000xi32>
    %ne3A_52 = arith.cmpi ne, %rem3A_50, %ne3A_51 : vector<4x20000xi32>
    %lt3A = arith.constant 0 : i32
    %lt3A_53 = vector.broadcast %lt3A : i32 to vector<4x20000xi32>
    %lt3A_54 = arith.cmpi slt, %rem3A_50, %lt3A_53 : vector<4x20000xi32>
    %lt3A_55 = arith.constant 0 : i32
    %lt3A_56 = arith.cmpi slt, %select_n3A, %lt3A_55 : i32
    %ne3A_57 = vector.broadcast %lt3A_56 : i1 to vector<4x20000xi1>
    %ne3A_58 = vector.broadcast %ne3A_57 : vector<4x20000xi1> to vector<4x20000xi1>
    %ne3A_59 = arith.xori %lt3A_54, %ne3A_58 : vector<4x20000xi1>
    %and3A = arith.andi %ne3A_59, %ne3A_52 : vector<4x20000xi1>
    %add3A_60 = vector.broadcast %select_n3A : i32 to vector<4x20000xi32>
    %add3A_61 = arith.addi %rem3A_50, %add3A_60 : vector<4x20000xi32>
    %select_n3A_62 = arith.select %and3A, %add3A_61, %rem3A_50 : vector<4x20000xi1>, vector<4x20000xi32>
    %eq3A_63 = arith.constant 0 : i32
    %eq3A_64 = vector.broadcast %eq3A_63 : i32 to vector<4x20000xi32>
    %eq3A_65 = arith.cmpi eq, %select_n3A_62, %eq3A_64 : vector<4x20000xi32>
    %get3A_66 = arith.constant 0 : index
    %get3A_67 = memref.load %arg0[%get3A_66] : memref<2xf32, #tpu.memory_space<smem>>
    %sub3A_68 = arith.constant 1.000000e+00 : f32
    %sub3A_69 = arith.subf %get3A_67, %sub3A_68 : f32
    %get3A_70 = arith.constant 1 : index
    %get3A_71 = memref.load %arg0[%get3A_70] : memref<2xf32, #tpu.memory_space<smem>>
    %sub3A_72 = arith.constant 1.000000e+00 : f32
    %sub3A_73 = arith.subf %get3A_71, %sub3A_72 : f32
    %jit3A_74 = arith.constant 0.000000e+00 : f32
    %max3A = vector.broadcast %jit3A_74 : f32 to vector<4x20000xf32>
    %max3A_75 = arith.maximumf %max3A, %concatenate3A : vector<4x20000xf32>
    %min3A = vector.broadcast %sub3A_69 : f32 to vector<4x20000xf32>
    %min3A_76 = arith.minimumf %min3A, %max3A_75 : vector<4x20000xf32>
    %jit3A_77 = arith.constant 0.000000e+00 : f32
    %max3A_78 = vector.broadcast %jit3A_77 : f32 to vector<4x20000xf32>
    %max3A_79 = arith.maximumf %max3A_78, %concatenate3A : vector<4x20000xf32>
    %min3A_80 = vector.broadcast %sub3A_73 : f32 to vector<4x20000xf32>
    %min3A_81 = arith.minimumf %min3A_80, %max3A_79 : vector<4x20000xf32>
    %select_n3A_82 = arith.select %eq3A_65, %min3A_76, %min3A_81 : vector<4x20000xi1>, vector<4x20000xf32>
    %swap3A = arith.constant 0 : index
    %swap3A_83 = arith.constant 0 : index
    %swap3A_84 = vector.load %arg3[%swap3A, %swap3A_83] : memref<4x20000xf32, #tpu.memory_space<vmem>>, vector<4x20000xf32>
    tpu.vector_store %arg3[%swap3A, %swap3A_83], %select_n3A_82 {strides = array<i32>} : memref<4x20000xf32, #tpu.memory_space<vmem>>, vector<4x20000xf32>,
    return
  }
}

</mosaic_0001>

<sc_bundles>
// kernel: kernel.4.cloned.1.call-start
scs
__scs_entry_jumppad:
0x0: {  	(pc) =	sbr.rel $0x88, $3  }
0x1: {  	(tag) =	ssettag $0x0;
	lr =	simm.s32 $0x1  }
0x2: {  	[smem:$0x3F9D] =	sst lr;
	_ =	strace $0xD0000000  }
0x3: {  	_ = 	snop  }
0x4: {  	_ = 	snop  }
0x5: {  	_ = 	snop  }
0x6: {  	_ = 	snop  }
0x7: {  	_ = 	snop  }
__scs_overlays_trampoline_lowered:
0x8: {  	[smem:$0x3FAC] =	sst s0  }
0x9: {  	[smem:$0x3FAD] =	sst s1  }
0xa: {  	[smem:$0x3FAE] =	sst s2  }
0xb: {  	[smem:$0x3FAF] =	sst s3  }
0xc: {  	[smem:$0x3FB0] =	sst s4  }
0xd: {  	[smem:$0x3FB1] =	sst s5  }
0xe: {  	[smem:$0x3FB2] =	sst s6  }
0xf: {  	[smem:$0x3FB3] =	sst s7  }
0x10: {  	[smem:$0x3FB4] =	sst s8  }
0x11: {  	[smem:$0x3FB5] =	sst s9;
	s0 =	simm.s32 @!p0 $0x0  }
0x12: {  	s1 =	sld [smem:$0x3F9B];
	s0 =	simm.s32 @p0 $0x1  }
0x13: {  	[smem:$0x3FB6] =	sst s0;
	s0 =	simm.s32 @!p1 $0x0  }
0x14: {  	s2 =	sld [smem:$0x3F9A];
	s0 =	simm.s32 @p1 $0x1  }
0x15: {  	[smem:$0x3FB7] =	sst s0;
	s0 =	simm.s32 @!p2 $0x0  }
0x16: {  	s3 =	sld [smem:$0x3FDB];
	s0 =	simm.s32 @p2 $0x1  }
0x17: {  	s4 =	simm.s32 $0x1BF5;
	[smem:$0x3FB9] =	sst s0  }
0x18: {  	s0 =	sld [smem:$0x3F9C];
	_ =	swait.ge [sflag:s4], $0x0  }
0x19: {  	s7 =	sld [smem:$0x3F9D]  }
0x1a: {  	s8 =	sadd.s32 $0xFFFFE003, lr  }
0x1b: {  	s9 =	sadd.s32 $0xFFFFFEF7, lr;
	s5 =	simm.s32 $0xFFFFFFFF;
	p2 =	slt.u32 s8, $0xFFFFF086  }
0x1c: {  	p1 =	slt.u32 s9, $0xF7A;
	s5 =	simm.s32 @!p2 $0x0  }
0x1d: {  	s5 =	simm.s32 @p1 $0x1;
	p0 =	seq.s32 s7, s2  }
0x1e: {  	s7 =	smul.u32 @!p0 $0xF7A, s2;
	p2 =	seq.s32 @!p0 s5, $0x0  }
0x1f: {  	s9 =	smul.u32 $0xF7A, s1;
	s8 =	simm.s32 @!p0 $0x1BF5;
	p2 =	por !p2, p0  }
0x20: {  	[sflag:s8] =	ssyncset.s32 @!p0 $0xFFFFF086;
	s6 =	sadd.s32 @!p0 s3, s7;
	s7 =	simm.s32 @!p0 $0x108  }
0x21: {  	s3 =	sadd.s32 s3, s9;
	s6 =	sadd.s32 @!p0 $0x88, s6;
	s7 =	simm.s32 @p2 $0x1082  }
0x22: {  	[simem:s7], [sflag:s8] =	dma.local @!p0 [hbm:s6], $0xF7A  }
0x23: {  	s9 =	sor.u32 $0xD0000000, s2;
	s6 =	simm.s32 $0x108;
	_ =	swait.ge @!p0 [sflag:s8], $0x0  }
0x24: {  	s3 =	sadd.s32 $0x88, s3;
	s6 =	simm.s32 @!p1 $0x1082;
	[sflag:s4] =	ssyncset.s32 $0xFFFFF086  }
0x25: {  	[simem:s6], [sflag:s4] =	dma.local [hbm:s3], $0xF7A  }
0x26: {  	[smem:$0x3F9D] =	sst s1;
	(tag) =	ssettag s2;
	_ =	strace s9  }
0x27: {  	s1 =	sld [smem:$0x3FAD]  }
0x28: {  	s2 =	sld [smem:$0x3FAE]  }
0x29: {  	s4 =	sld [smem:$0x3FB0]  }
0x2a: {  	p0 =	seq.s32 s5, $0x0;
	s5 =	sld [smem:$0x3FB1]  }
0x2b: {  	s6 =	sld [smem:$0x3FB2]  }
0x2c: {  	s7 =	sld [smem:$0x3FB3]  }
0x2d: {  	s3 =	simm.s32 $0x108;
	s8 =	sld [smem:$0x3FB4]  }
0x2e: {  	s3 =	simm.s32 @!p0 $0x1082;
	s9 =	sld [smem:$0x3FB5]  }
0x2f: {  	lr =	sadd.s32 s0, s3;
	s0 =	sld [smem:$0x3FAC]  }
0x30: {  	s3 =	sld [smem:$0x3FAF]  }
0x31: {  	[smem:$0x3FB8] =	sst s10  }
0x32: {  	s10 =	sld [smem:$0x3FB6];
	_ =	sdelay $0x3  }
0x33: {  	p0 =	seq.s32 s10, $0x1;
	s10 =	sld [smem:$0x3FB8];
	_ =	sdelay $0x3  }
0x34: {  	[smem:$0x3FB8] =	sst s10  }
0x35: {  	s10 =	sld [smem:$0x3FB7];
	_ =	sdelay $0x3  }
0x36: {  	p1 =	seq.s32 s10, $0x1;
	s10 =	sld [smem:$0x3FB8];
	_ =	sdelay $0x3  }
0x37: {  	[smem:$0x3FB8] =	sst s10  }
0x38: {  	s10 =	sld [smem:$0x3FB9]  }
0x39: {  	_ = 	snop;
	(pc) =	sbr.ind lr, $3  }
0x3a: {  	_ = 	snop  }
0x3b: {  	_ = 	snop  }
0x3c: {  	p2 =	seq.s32 s10, $0x1;
	s10 =	sld [smem:$0x3FB8]  }
0x3d: {  	_ =	shalt  }
0x3e: {  	_ =	shalt  }
0x3f: {  	_ =	shalt  }
0x40: {  	_ =	shalt  }
0x41: {  	_ =	shalt  }
0x42: {  	_ =	shalt  }
0x43: {  	_ =	shalt  }
0x44: {  	_ =	shalt  }
0x45: {  	_ =	shalt  }
0x46: {  	_ =	shalt  }
0x47: {  	_ =	shalt  }
0x48: {  	_ =	shalt  }
0x49: {  	_ =	shalt  }
0x4a: {  	_ =	shalt  }
0x4b: {  	_ =	shalt  }
0x4c: {  	_ =	shalt  }
0x4d: {  	_ =	shalt  }
0x4e: {  	_ =	shalt  }
0x4f: {  	_ =	shalt  }
0x50: {  	_ =	shalt  }
0x51: {  	_ =	shalt  }
0x52: {  	_ =	shalt  }
0x53: {  	_ =	shalt  }
0x54: {  	_ =	shalt  }
0x55: {  	_ =	shalt  }
0x56: {  	_ =	shalt  }
0x57: {  	_ =	shalt  }
0x58: {  	_ =	shalt  }
0x59: {  	_ =	shalt  }
0x5a: {  	_ =	shalt  }
0x5b: {  	_ =	shalt  }
0x5c: {  	_ =	shalt  }
0x5d: {  	_ =	shalt  }
0x5e: {  	_ =	shalt  }
0x5f: {  	_ =	shalt  }
0x60: {  	_ =	shalt  }
0x61: {  	_ =	shalt  }
0x62: {  	_ =	shalt  }
0x63: {  	_ =	shalt  }
0x64: {  	_ =	shalt  }
0x65: {  	_ =	shalt  }
0x66: {  	_ =	shalt  }
0x67: {  	_ =	shalt  }
0x68: {  	_ =	shalt  }
0x69: {  	_ =	shalt  }
0x6a: {  	_ =	shalt  }
0x6b: {  	_ =	shalt  }
0x6c: {  	_ =	shalt  }
0x6d: {  	_ =	shalt  }
0x6e: {  	_ =	shalt  }
0x6f: {  	_ =	shalt  }
0x70: {  	_ =	shalt  }
0x71: {  	_ =	shalt  }
0x72: {  	_ =	shalt  }
0x73: {  	_ =	shalt  }
0x74: {  	_ =	shalt  }
0x75: {  	_ =	shalt  }
0x76: {  	_ =	shalt  }
0x77: {  	_ =	shalt  }
0x78: {  	_ =	shalt  }
0x79: {  	_ =	shalt  }
0x7a: {  	_ =	shalt  }
0x7b: {  	_ =	shalt  }
0x7c: {  	_ =	shalt  }
0x7d: {  	_ =	shalt  }
0x7e: {  	_ =	shalt  }
0x7f: {  	_ =	shalt  }
0x80: {  	_ =	shalt  }
0x81: {  	_ =	shalt  }
0x82: {  	_ =	shalt  }
0x83: {  	_ =	shalt  }
0x84: {  	_ =	shalt  }
0x85: {  	_ =	shalt  }
0x86: {  	_ =	shalt  }
0x87: {  	_ =	shalt  }
.Lfunc_end0:
.L_simem_size_0:
called_computation_lowered:
.L_overlay_start_0:
0x88: {  	s2 =	sld [smem:$0x3FD9]  }
0x89: {  	s3 =	sld [smem:$0x3FFE];
	_ =	sdelay $0x1  }
0x8a: {  	s1 =	srdreg.scid  }
0x8b: {  	s0 =	sand.u32 $0x1, s1  }
0x8c: {  	s16 =	sshll.u32 s0, $0xA;
	s2 =	sadd.s32 s3, s2  }
0x8d: {  	s2 =	sadd.s32 s2, s16  }
0x8e: {  	[smem:$0x3FC4] =	sst s2  }
0x8f: {  	_ = 	snop  }
0x90: {  	(tm) =	ssettm $0x1  }
0x91: {  	s17 =	sld [smem:$0x3FFB];
	_ =	sdelay $0x3  }
0x92: {  	_ =	strace s17  }
0x93: {  	s2 =	sld [smem:$0x3FFC];
	_ =	sdelay $0x3  }
0x94: {  	_ =	strace s2  }
0x95: {  	s2 =	sld [smem:$0x3FFD];
	_ =	sdelay $0x3  }
0x96: {  	_ =	strace s2  }
0x97: {  	_ =	strace $0x8FFFFFFF  }
0x98: {  	s18 =	sld [smem:$0x3FDB];
	_ =	sdelay $0x1  }
0x99: {  	s19 =	simm.s32 $_scs_section_size  }
0x9a: {  	s4 =	simm.s32 $_size__tile_overlayer_lowered;
	s5 =	simm.s32 $_tile_overlayer_lowered  }
0x9b: {  	s22 =	simm.s32 $0x1BFF;
	s21 =	sshll.u32 s5, $0x1;
	s2 =	sadd.s32 s19, s18  }
0x9c: {  	s6 =	simm.s32 $0x0;
	s20 =	sshll.u32 s4, $0x1;
	s4 =	sadd.s32 s21, s2  }
0x9d: {  	[timem:s6], [sflag:s22] =	dma.local [hbm:s4], s20  }
0x9e: {  	_ =	swait.ge [sflag:s22], s20  }
0x9f: {  	s3 =	ssub.s32 $0x0, s20;
	[sflag:s22] =	ssyncset.done $0x0  }
0xa0: {  	[sflag:s22] =	ssyncadd.s32 s3;
	_ =	sdelay $0x1  }
0xa1: {  	s23 =	simm.s32 $0x1B8B  }
0xa2: {  	_ =	swait.ge [sflag:s23], $0x1  }
0xa3: {  	[sflag:s23] =	ssyncset.done $0x0  }
0xa4: {  	s25 =	simm.s32 $0x1B8E;
	s24 =	sld [smem:$0x3FFE];
	[sflag:s23] =	ssyncadd.s32 $0xFFFFFFFF  }
0xa5: {  	s26 =	simm.s32 $execute0_lowered;
	[smem:$0x3FD2] =	sst s25  }
0xa6: {  	s4 =	sshll.u32 s26, $0x1;
	_ =	strace $0x80000046;
	[dreg:$0x1] =	wrdreg $0xFFFFFFFF  }
0xa7: {  	s28 =	simm.s32 $_size_execute0_lowered;
	s2 =	sadd.s32 s2, s4;
	[dreg:$0x0] =	wrdreg $0x0  }
0xa8: {  	s4 =	sshll.u32 s28, $0x1;
	[dreg:$0x2] =	wrdreg s2  }
0xa9: {  	[dreg:$0x3] =	wrdreg s4  }
0xaa: {  	[dreg:$0x4] =	wrdreg $0xC0  }
0xab: {  	_ =	task [dreg:s6], $0x5FFFF  }
0xac: {  	[dreg:$0x1] =	wrdreg $0xFFFFFFFF  }
0xad: {  	[dreg:$0x0] =	wrdreg $0x60  }
0xae: {  	[dreg:$0x2] =	wrdreg s24  }
0xaf: {  	[dreg:$0x3] =	wrdreg $0x9  }
0xb0: {  	_ =	task.clear_ibuf [dreg:s6], $0x4FFFF;
	_ =	strace $0x90000046  }
0xb1: {  	s29 =	simm.s32 $0x9;
	_ =	strace $0x80000048  }
0xb2: {  	_ =	swait.ge [sflag:s29], $0x1  }
0xb3: {  	[sflag:s29] =	ssyncadd.s32 $0xFFFFFFFF  }
0xb4: {  	_ =	strace $0x90000048  }
0xb5: {  	_ =	sfence  }
0xb6: {  	s30 =	sld [smem:$0x0];
	_ =	sdelay $0x2  }
0xb7: {  	s31 =	sshll.u32 s1, $0xD;
	s1 =	sshrl.u32 s1, $0x2  }
0xb8: {  	s3 =	sand.u32 $0x4000, s31;
	s1 =	sadd.s32 s1, s30  }
0xb9: {  	s0 =	sor.u32 s3, s0;
	s1 =	sshll.u32 s1, $0x11  }
0xba: {  	s0 =	sor.u32 s1, s0  }
0xbb: {  	s0 =	sadd.s32 $0x8F2B, s0  }
0xbc: {  	[sflag:s0] =	ssyncadd.remote.s32 $0x1  }
0xbd: {  	_ =	sfence.sel $0xFFFF  }
0xbe: {  	[dreg:$0x0] =	wrdreg $0xFFFFFFFF;
	(pc) =	sbr.abs _section_cstart, $3  }
0xbf: {  	[dreg:$0x1] =	wrdreg $0xFFFFFFFF  }
0xc0: {  	_ =	task.clear_ibuf [dreg:s6], $0x2FFFF;
	_ =	strace $0x9FFFFFFF  }
0xc1: {  	(tm) =	ssettm $0x7FFFFFFF  }
tec
execute0_lowered:
.L_overlay_start_1:
0x0: {  	(tag) =	ssettag $0x1  }
0x1: {  	s0 =	srdreg.scid  }
0x2: {  	s3 =	sand.u32 $0x1, s0;
	s0 =	stileid.u32  }
0x3: {  	s2 =	sor.u32 s0, s3  }
0x4: {  	p0 =	sne.s32 s2, $0x0  }
.Ltmp0:
0x5: {  	_ = 	snop;
	(pc) =	sbr.rel @p0 .LBB2_25-.Ltmp0, $3  }
0x6: {  	_ =	sdelay $0x1  }
0x7: {  	s4 =	rddreg [dreg:$0x0]  }
0x8: {  	s1 =	rddreg [dreg:$0x1];
	_ =	strace $0x80000047  }
0x9: {  	s2 =	sadd.s32 $0x800, s4;
	s5 =	ssub.s32 $0x2, s3  }
0xa: {  	v0 =	vlaneseq.u32;
	s3 =	sadd.s32 $0x1200, s4;
	s4 =	sadd.s32 $0x3A00, s4;
	v2 =	vimm.f32 $-Inf;
	s7 =	simm.s32 $0x4F00;
	v3 =	vimm.f32 $3.000000000e+09  }
0xb: {  	v4 =	vimm.f32 $-3.000000000e+09;
	v5 =	vimm.f32 $1.000000000e+00;
	s8 =	simm.s32 $0x2;
	s9 =	simm.s32 $0x18900;
	s10 =	simm.s32 $0x18E00;
	vm0 =	vmxor vm0, vm0  }
0xc: {  	s11 =	simm.s32 $0x18E80;
	s12 =	simm.s32 $0x19480;
	s13 =	simm.s32 $0x19600;
	v10 =	vimm.f32 $0.0e+00;
	v11 =	vimm.s32 $0x80;
	v12 =	vimm.s32 $0x100  }
0xd: {  	s14 =	simm.s32 $0x19780;
	s15 =	simm.s32 $0x1;
	v13 =	vimm.s32 $0x180;
	s6 =	sshrl.u32 s5, $0x1;
	v1 =	vmul.u32 $0x10, v0;
	v6 =	vor.u32 $0x10, v0  }
0xe: {  	s16 =	simm.s32 $0x0;
	v7 =	vor.u32 $0x20, v0;
	v8 =	vor.u32 $0x30, v0;
	v9 =	vor.u32 $0x80000040, v0;
	s5 =	ssub.s32 s5, s6;
	s6 =	simm.s32 $0x0  }
.LBB2_2:
0xf: {  	[tilespmem:s7], [sflag:$0x1] =	stream.linear.gather [hbm4b:s3+s6], $0x13A00, $0x38;
	[tilespmem:$0x19900] =	vst v63  }
0x10: {  	_ = 	snop  }
0x11: {  	[tilespmem:s6], [sflag:$0x2] =	stream.linear.gather [hbm4b:s2+s6], $0x4F00, $0x38;
	[tilespmem:$0x19900] =	vst v63  }
0x12: {  	_ =	swait.ge [sflag:s8], $0x4F00  }
0x13: {  	[sflag:s8] =	ssyncset.done $0x0  }
0x14: {  	s17 =	simm.s32 $0x0;
	[sflag:s8] =	ssyncadd.s32 $0xFFFFB100  }
.LBB2_3:
0x15: {  	s18 =	sshll.u32 s17, $0x8  }
0x16: {  	s24 =	simm.s32 $0x0;
	v14 =	vor.u32 s18, v1  }
0x17: {  	v15 =	vor.u32 s24, v14  }
0x18: {  	s25 =	simm.s32 $0x1  }
0x19: {  	s26 =	simm.s32 $0x2;
	v16 =	vor.u32 s25, v14  }
0x1a: {  	s28 =	simm.s32 $0x3;
	v17 =	vor.u32 s26, v14  }
0x1b: {  	s19 =	simm.s32 $0x4;
	v18 =	vor.u32 s28, v14  }
0x1c: {  	v23 =	vor.u32 s19, v14;
	v22 =	vld.idx.msk [tilespmem:v15+s6+$0x0], $0xffff  }
0x1d: {  	s29 =	simm.s32 $0x5  }
0x1e: {  	s30 =	simm.s32 $0x6;
	v19 =	vor.u32 s29, v14;
	v15 =	vld.idx.msk [tilespmem:v16+s6+$0x0], $0xffff  }
0x1f: {  	s31 =	simm.s32 $0x7;
	v20 =	vor.u32 s30, v14;
	v16 =	vld.idx.msk [tilespmem:v17+s6+$0x0], $0xffff  }
0x20: {  	v24 =	vimm.f32 $-Inf;
	v21 =	vor.u32 s31, v14;
	v17 =	vld.idx.msk [tilespmem:v18+s6+$0x0], $0xffff  }
0x21: {  	s18 =	simm.s32 $0x8;
	v18 =	vld.idx.msk [tilespmem:v23+s6+$0x0], $0xffff;
	v22 =	vmax.f32 v24, v22  }
.LBB2_4:
0x22: {  	s19 =	sadd.s32 $0x1, s18  }
0x23: {  	v23 =	vor.u32 s18, v14;
	p0 =	slt.u32 s18, $0xC;
	v22 =	vmax.f32 v22, v15;
	v15 =	vld.idx.msk [tilespmem:v19+s6+$0x0], $0xffff;
	s20 =	smov.u32 s18;
	s18 =	sadd.s32 $0x4, s18  }
.Ltmp1:
0x24: {  	v19 =	vor.u32 s19, v14;
	s19 =	sadd.s32 $0x2, s20;
	v22 =	vmax.f32 v22, v16;
	v16 =	vld.idx.msk [tilespmem:v20+s6+$0x0], $0xffff;
	(pc) =	sbr.rel @p0 .LBB2_4-.Ltmp1, $3  }
0x25: {  	v20 =	vor.u32 s19, v14;
	s19 =	sadd.s32 $0x3, s20;
	v22 =	vmax.f32 v22, v17;
	v17 =	vld.idx.msk [tilespmem:v21+s6+$0x0], $0xffff  }
0x26: {  	v21 =	vor.u32 s19, v14;
	_ =	sdelay $0x1  }
0x27: {  	v22 =	vmax.f32 v22, v18;
	v18 =	vld.idx.msk [tilespmem:v23+s6+$0x0], $0xffff  }
0x28: {  	_ =	sdelay $0x3  }
0x29: {  	v14 =	vld.idx.msk [tilespmem:v19+s6+$0x0], $0xffff  }
0x2a: {  	v15 =	vmax.f32 v22, v15;
	v61 =	vld.idx.msk [tilespmem:v20+s6+$0x0], $0xffff  }
0x2b: {  	v62 =	vld.idx.msk [tilespmem:v21+s6+$0x0], $0xffff;
	s18 =	sshll.u32 s17, $0x4;
	s17 =	sadd.s32 $0x1, s17;
	v15 =	vmax.f32 v15, v16  }
0x2c: {  	v63 =	vor.u32 s18, v0;
	p0 =	sne.s32 s17, $0x4F;
	v15 =	vmax.f32 v15, v17  }
.Ltmp2:
0x2d: {  	v15 =	vmax.f32 v15, v18;
	(pc) =	sbr.rel @p0 .LBB2_3-.Ltmp2, $4  }
0x2e: {  	v14 =	vmax.f32 v15, v14  }
0x2f: {  	v14 =	vmax.f32 v14, v61  }
0x30: {  	v14 =	vmax.f32 v14, v62  }
0x31: {  	[tilespmem:v63+s9+$0x0] =	vst.idx.msk $0xffff, v14  }
0x32: {  	s17 =	simm.s32 $0x0  }
0x33: {  	v14 =	vor.u32 s17, v0;
	_ =	sdelay $0x3  }
0x34: {  	[tilespmem:$0x18DF0] =	vst v2  }
0x35: {  	v14 =	vld.idx.msk [tilespmem:v14+s9+$0x0], $0xffff;
	_ =	sdelay $0x4  }
0x36: {  	(xrf0) =	vmax.scan.msk.f32 $0xffff, v14;
	_ =	sdelay $0x3  }
0x37: {  	s19 =	simm.s32 $0x10;
	v14 =	vmov s17  }
0x38: {  	s18 =	simm.s32 $0x1;
	s20 =	simm.s32 $0x2;
	v15 =	vor.u32 s19, v0  }
.LBB2_7:
0x39: {  	p0 =	sne.s32 s20, $0x4F;
	v16, _, _ =	vpop (xrf0)  }
0x3a: {  	v16 =	vbroadcast v16, $0xF;
	_ =	sdelay $0x1  }
0x3b: {  	[tilespmem:v14+s10+$0x0] =	vst.idx.msk $0xffff, v16  }
0x3c: {  	v14 =	vld.idx.msk [tilespmem:v15+s9+$0x0], $0xffff;
	_ =	sdelay $0x5  }
0x3d: {  	(xrf0) =	vmax.scan.msk.f32 $0xffff, v14  }
.Ltmp3:
0x3e: {  	(pc) =	sbr.rel @p0 .LBB2_7-.Ltmp3, $3  }
0x3f: {  	_ =	sdelay $0x1  }
0x40: {  	s19 =	sadd.s32 $0x10, s19;
	v14 =	vmov s18;
	s18 =	smov.u32 s20  }
0x41: {  	v15 =	vor.u32 s19, v0;
	s20 =	sadd.s32 $0x1, s20  }
0x42: {  	_ = 	snop  }
0x43: {  	v16, _, _ =	vpop (xrf0)  }
0x44: {  	v16 =	vbroadcast v16, $0xF;
	_ =	sdelay $0x1  }
0x45: {  	[tilespmem:v14+s10+$0x0] =	vst.idx.msk $0xffff, v16  }
0x46: {  	v14 =	vld.idx.msk [tilespmem:v15+s9+$0x0], $0xffff;
	_ =	sdelay $0x4  }
0x47: {  	(xrf0) =	vmax.scan.msk.f32 $0xffff, v14;
	_ =	sdelay $0x1  }
0x48: {  	v15 =	vmov s17;
	v14 =	vor.u32 s17, v0  }
0x49: {  	v15 =	vshll.u32 v15, $0x2;
	v17 =	vand.u32 $0x7F, v14  }
0x4a: {  	v16 =	vmov s18;
	v15 =	vand.u32 $0x600, v15  }
0x4b: {  	v15 =	vor.u32 v17, v15  }
0x4c: {  	v18 =	vor.u32 $0x80, v15;
	v17, _, _ =	vpop (xrf0)  }
0x4d: {  	v19 =	vor.u32 $0x100, v15;
	v17 =	vbroadcast v17, $0xF  }
0x4e: {  	s31 =	simm.s32 $0x10;
	v20 =	vor.u32 $0x180, v15  }
0x4f: {  	[tilespmem:v16+s10+$0x0] =	vst.idx.msk $0xffff, v17;
	v16 =	vmov s31  }
0x50: {  	[tilespmem:v15+s11+$0x0] =	vst.idx.msk $0xffff, v3;
	v15 =	vor.u32 s31, v0;
	v16 =	vshll.u32 v16, $0x2  }
0x51: {  	[tilespmem:v18+s11+$0x0] =	vst.idx.msk $0xffff, v3;
	v17 =	vand.u32 $0x7F, v15;
	v16 =	vand.u32 $0x600, v16  }
0x52: {  	[tilespmem:v19+s11+$0x0] =	vst.idx.msk $0xffff, v4;
	v16 =	vor.u32 v17, v16  }
0x53: {  	[tilespmem:v20+s11+$0x0] =	vst.idx.msk $0xffff, v4;
	v17 =	vor.u32 $0x80, v16  }
0x54: {  	v18 =	vor.u32 $0x100, v16;
	[tilespmem:v14+s12+$0x0] =	vst.idx.msk $0xffff, v4  }
0x55: {  	s17 =	simm.s32 $0x20;
	v19 =	vor.u32 $0x180, v16;
	[tilespmem:v14+s13+$0x0] =	vst.idx.msk $0xffff, v4  }
.LBB2_9:
0x56: {  	v20 =	vmov s17;
	p0 =	sne.s32 s17, $0x140;
	[tilespmem:v14+s14+$0x0] =	vst.idx.msk $0xffff, v5;
	v14 =	vmov v15;
	s18 =	smov.u32 s17;
	s17 =	sadd.s32 $0x10, s17  }
0x57: {  	v15 =	vor.u32 s18, v0;
	v20 =	vshll.u32 v20, $0x2;
	[tilespmem:v16+s11+$0x0] =	vst.idx.msk $0xffff, v3  }
.Ltmp4:
0x58: {  	v16 =	vand.u32 $0x7F, v15;
	v20 =	vand.u32 $0x600, v20;
	[tilespmem:v17+s11+$0x0] =	vst.idx.msk $0xffff, v3;
	(pc) =	sbr.rel @p0 .LBB2_9-.Ltmp4, $4  }
0x59: {  	v16 =	vor.u32 v16, v20;
	[tilespmem:v18+s11+$0x0] =	vst.idx.msk $0xffff, v4  }
0x5a: {  	v17 =	vor.u32 $0x80, v16;
	[tilespmem:v19+s11+$0x0] =	vst.idx.msk $0xffff, v4  }
0x5b: {  	v18 =	vor.u32 $0x100, v16;
	[tilespmem:v14+s12+$0x0] =	vst.idx.msk $0xffff, v4  }
0x5c: {  	v19 =	vor.u32 $0x180, v16;
	[tilespmem:v14+s13+$0x0] =	vst.idx.msk $0xffff, v4  }
0x5d: {  	_ =	sdelay $0x3  }
0x5e: {  	[tilespmem:v14+s14+$0x0] =	vst.idx.msk $0xffff, v5  }
0x5f: {  	[tilespmem:v16+s11+$0x0] =	vst.idx.msk $0xffff, v3  }
0x60: {  	[tilespmem:v17+s11+$0x0] =	vst.idx.msk $0xffff, v3  }
0x61: {  	[tilespmem:v18+s11+$0x0] =	vst.idx.msk $0xffff, v4  }
0x62: {  	[tilespmem:v19+s11+$0x0] =	vst.idx.msk $0xffff, v4  }
0x63: {  	[tilespmem:v15+s12+$0x0] =	vst.idx.msk $0xffff, v4  }
.Ltmp5:
0x64: {  	[tilespmem:v15+s13+$0x0] =	vst.idx.msk $0xffff, v4;
	(pc) =	sbr.rel .LBB2_11-.Ltmp5, $4  }
0x65: {  	[tilespmem:v15+s14+$0x0] =	vst.idx.msk $0xffff, v5  }
0x66: {  	_ =	swait.ge [sflag:s15], $0x13A00  }
0x67: {  	s17 =	simm.s32 $0x0;
	[sflag:s15] =	ssyncset.done $0x0  }
0x68: {  	s18 =	simm.s32 $0x0;
	s19 =	simm.s32 $0x0;
	[sflag:s15] =	ssyncadd.s32 $0xFFFEC600  }
.LBB2_12:
0x69: {  	v45 =	vimm.f32 $0.0e+00  }
0x6a: {  	v44 =	vimm.f32 $0.0e+00;
	v43 =	vimm.f32 $0.0e+00;
	v42 =	vimm.f32 $0.0e+00  }
.LBB2_21:
0x6b: {  	v46 =	vmin.f32 v40, v36;
	v47 =	vmax.f32 v17, v21;
	v48 =	vmin.f32 v38, v35  }
0x6c: {  	v49 =	vmax.f32 v16, v20;
	v53 =	vmin.f32 v40, v33;
	v54 =	vmax.f32 v17, v24  }
0x6d: {  	v55 =	vmin.f32 v38, v32;
	v50 =	vmax.f32 v16, v25;
	v57 =	vadd.f32 v39, v41  }
0x6e: {  	v58 =	vadd.f32 v37, v41;
	v59 =	vmin.f32 v36, v33;
	v60 =	vmax.f32 v21, v24  }
0x6f: {  	v61 =	vmin.f32 v35, v32;
	v51 =	vmax.f32 v20, v25;
	v46 =	vsub.f32 v46, v47  }
0x70: {  	v63 =	vmin.f32 v40, v31;
	(xrf0) =	vmax.scan.msk.f32 $0xffff, v45;
	v52 =	vsub.f32 v48, v49;
	v56 =	vsub.f32 v55, v50  }
0x71: {  	v62 =	vsub.f32 v61, v51;
	v61 =	vmin.f32 v36, v31;
	v55 =	vadd.f32 v34, v41  }
0x72: {  	v46 =	vmax.f32 v46, $0.0e+00;
	v47 =	vmax.f32 v52, $0.0e+00;
	v48 =	vmax.f32 v56, $0.0e+00  }
0x73: {  	v56 =	vmax.f32 v17, v29;
	v46 =	vmul.f32 v47, v46;
	v47 =	vsub.f32 v53, v54  }
0x74: {  	v52 =	vmax.f32 v16, v30;
	v49 =	vmax.f32 v62, $0.0e+00;
	v62 =	vmax.f32 v21, v29  }
0x75: {  	v45 =	vsub.f32 v63, v56;
	v63 =	vmin.f32 v35, v28;
	v47 =	vmax.f32 v47, $0.0e+00  }
0x76: {  	v46 =	vmul.f32 $1.700000050e+00, v46;
	v53, _, _ =	vpop (xrf0);
	v47 =	vmul.f32 v48, v47;
	v48 =	vsub.f32 v59, v60  }
0x77: {  	v54 =	vadd.f32 v37, v39;
	v45 =	vmax.f32 v45, $0.0e+00;
	(v2sf) =	vpush v53, $0xF  }
0x78: {  	(xrf0) =	vmax.scan.msk.f32 $0xffff, v44;
	vm1 =	vgt.f32 v46, v57;
	v46 =	vmul.f32 $1.700000050e+00, v47;
	v48 =	vmax.f32 v48, $0.0e+00  }
0x79: {  	v53 =	vmin.f32 v32, v28;
	v57 =	vmin.f32 v38, v28;
	v60 =	vmul.f32 v49, v48  }
0x7a: {  	vm2 =	vgt.f32 v46, v58;
	v58 =	vsub.f32 v57, v52;
	v52 =	vmax.f32 v20, v30  }
0x7b: {  	v59 =	vsel vm1, $0x3F800000, v10;
	v44 =	vmul.f32 $1.700000050e+00, v60;
	v48 =	vsub.f32 v63, v52  }
0x7c: {  	(xrf0) =	vmax.scan.msk.f32 $0xffff, v59;
	v59 =	vsel vm2, $0x3F800000, v10;
	v63 =	vmin.f32 v33, v31;
	v46 =	vmax.f32 v58, $0.0e+00  }
0x7d: {  	(xrf0) =	vmax.scan.msk.f32 $0xffff, v43;
	v45 =	vmul.f32 v46, v45;
	v46 =	vsub.f32 v61, v62;
	vm1 =	vgt.f32 v44, v54  }
0x7e: {  	v52 =	vmax.f32 v24, v29;
	v57 =	vmax.f32 v48, $0.0e+00;
	v58, _, _ =	vpop (xrf0);
	v60 =	vsel vm1, $0x3F800000, v10;
	(xrf0) =	vmax.scan.msk.f32 $0xffff, v59  }
0x7f: {  	v54 =	vmax.f32 v25, v30;
	v45 =	vmul.f32 $1.700000050e+00, v45;
	v56 =	vmax.f32 v46, $0.0e+00;
	(xrf0) =	vmax.scan.msk.f32 $0xffff, v60  }
0x80: {  	v44 =	vmul.f32 v57, v56;
	(xrf0) =	vmax.scan.msk.f32 $0xffff, v42;
	v42 =	vsub.f32 v63, v52;
	v56 =	vsub.f32 v53, v54  }
0x81: {  	(v2sf) =	vpush v58, $0xF;
	vm2 =	vgt.f32 v45, v55  }
0x82: {  	v61 =	vsel vm2, $0x3F800000, v10;
	v42 =	vmax.f32 v42, $0.0e+00;
	v43 =	vmax.f32 v56, $0.0e+00  }
0x83: {  	v55, _, _ =	vpop (xrf0);
	(xrf0) =	vmax.scan.msk.f32 $0xffff, v61;
	v42 =	vmul.f32 v43, v42  }
0x84: {  	v62 =	vadd.f32 v34, v39;
	v44 =	vmul.f32 $1.700000050e+00, v44;
	(v2sf) =	vpush v55, $0xF;
	v57, _, _ =	vpop (xrf0)  }
0x85: {  	(v2sf) =	vpush v57, $0xF;
	v61 =	vadd.f32 v34, v37;
	v58, _, _ =	vpop (xrf0);
	v42 =	vmul.f32 $1.700000050e+00, v42  }
0x86: {  	vm1 =	vgt.f32 v44, v62;
	v59, _, _ =	vpop (xrf0);
	(v2sf) =	vpush v58, $0xF  }
0x87: {  	v45 =	vsel vm1, $0x3F800000, v10;
	(v2sf) =	vpush v59, $0xF;
	vm1 =	vgt.f32 v42, v61  }
0x88: {  	(xrf0) =	vmax.scan.msk.f32 $0xffff, v45;
	v60, _, _ =	vpop (xrf0);
	v42 =	vsel vm1, $0x3F800000, v10  }
0x89: {  	(v2sf) =	vpush v60, $0xF;
	v62, _, _ =	vpop (xrf0);
	(xrf0) =	vmax.scan.msk.f32 $0xffff, v42;
	_ =	sdelay $0x3  }
0x8a: {  	(v2sf) =	vpush v62, $0xF  }
0x8b: {  	v63, _, _ =	vpop (xrf0)  }
0x8c: {  	s20 =	spop (v2sf);
	(v2sf) =	vpush v63, $0xF;
	v42, _, _ =	vpop (xrf0)  }
0x8d: {  	p0 =	sgt.f32 s20, $0.0e+00;
	(v2sf) =	vpush v42, $0xF  }
0x8e: {  	s21 =	spop (v2sf)  }
0x8f: {  	p2 =	por !p0, !p0;
	p3 =	sgt.f32 s21, $0.0e+00;
	s21 =	simm.s32 $0x1  }
0x90: {  	s20 =	simm.s32 @!p0 $0x18E80;
	s21 =	simm.s32 @!p2 $0x0;
	s22 =	spop (v2sf)  }
0x91: {  	p3 =	por !p3, !p3;
	s23 =	spop (v2sf);
	p4 =	sgt.f32 s22, $0.0e+00  }
0x92: {  	v42 =	vmov @!p0 s19;
	s19 =	sadd.s32 s21, s19;
	s21 =	simm.s32 $0x1;
	s24 =	spop (v2sf)  }
0x93: {  	v43 =	vshll.u32 @!p0 v42, $0x2;
	p6 =	slt.s32 s19, $0x12C;
	p5 =	por !p4, !p4;
	s25 =	spop (v2sf)  }
0x94: {  	v44 =	vand.u32 @!p0 $0x7F, v42;
	v43 =	vand.u32 @!p0 $0xFFFFFE00, v43;
	p1 =	sgt.f32 s24, $0.0e+00;
	s24 =	simm.s32 @!p2 $0x0;
	p5 =	por p5, p0  }
0x95: {  	v43 =	vor.u32 @!p0 v44, v43;
	s26 =	spop (v2sf);
	p4 =	sgt.f32 s25, $0.0e+00;
	p3 =	por !p3, !p5  }
0x96: {  	v44 =	vor.u32 @!p0 $0x80, v43;
	s24 =	simm.s32 @p2 $0x1;
	p5 =	sgt.f32 s23, $0.0e+00;
	p3 =	por !p3, !p3  }
0x97: {  	v45 =	vor.u32 @!p0 $0x100, v43;
	[smem:$0x7FD] =	sst s24;
	p1 =	por !p1, !p2;
	p4 =	por !p4, !p3  }
0x98: {  	v46 =	vor.u32 @!p0 $0x180, v43;
	p6 =	por !p3, !p6;
	p2 =	por !p1, !p1;
	s30 =	sld [smem:$0x7FD]  }
0x99: {  	s28 =	spop (v2sf);
	p4 =	por !p4, !p4;
	p1 =	por !p6, !p6  }
0x9a: {  	[tilespmem:v43+s20+$0x0] =	vst.idx.msk @!p0 $0xffff, v17;
	p2 =	por p2, p4;
	p4 =	sgt.f32 s28, $0.0e+00;
	v47 =	vmov @p1 s19;
	s21 =	simm.s32 @!p1 $0x0  }
0x9b: {  	[tilespmem:v44+s20+$0x0] =	vst.idx.msk @!p0 $0xffff, v16;
	p2 =	por p5, p2;
	v17 =	vshll.u32 @p1 v47, $0x2;
	p6 =	seq.s32 s30, $0x1;
	s29 =	spop (v2sf)  }
0x9c: {  	[tilespmem:v45+s20+$0x0] =	vst.idx.msk @!p0 $0xffff, v15;
	v16 =	vand.u32 @p1 $0x7F, v47;
	s19 =	sadd.s32 s21, s19;
	v17 =	vand.u32 @p1 $0xFFFFFE00, v17;
	p5 =	sgt.f32 s29, $0.0e+00;
	s31 =	spop (v2sf)  }
0x9d: {  	[tilespmem:v46+s20+$0x0] =	vst.idx.msk @!p0 $0xffff, v14;
	s20 =	simm.s32 @!p0 $0x19480;
	p4 =	por !p4, !p6;
	v15 =	vor.u32 @p1 v16, v17;
	p6 =	sgt.f32 s31, $0.0e+00  }
0x9e: {  	p2 =	por !p2, !p2;
	v14 =	vor.u32 @p1 $0x80, v15;
	p5 =	por !p5, !p3;
	p3 =	slt.s32 s19, $0x12C  }
0x9f: {  	[tilespmem:v42+s20+$0x0] =	vst.idx.msk @!p0 $0xffff, v40;
	s20 =	simm.s32 @!p0 $0x19600;
	v16 =	vor.u32 @p1 $0x100, v15;
	p6 =	por !p6, !p2;
	p2 =	por !p2, !p3  }
0xa0: {  	s21 =	simm.s32 $0x1;
	[tilespmem:v42+s20+$0x0] =	vst.idx.msk @!p0 $0xffff, v38;
	s20 =	simm.s32 @!p0 $0x19780;
	v17 =	vor.u32 @p1 $0x180, v15;
	p2 =	por !p2, !p2  }
0xa1: {  	p4 =	por !p4, !p4;
	[tilespmem:v42+s20+$0x0] =	vst.idx.msk @!p0 $0xffff, v41;
	s20 =	simm.s32 @p1 $0x18E80;
	p5 =	por !p5, !p5;
	v38 =	vmov @p2 s19  }
0xa2: {  	p4 =	por p4, p5;
	p3 =	sgt.f32 s26, $0.0e+00;
	[tilespmem:v15+s20+$0x0] =	vst.idx.msk @p1 $0xffff, v21;
	p5 =	por !p6, !p6;
	v15 =	vshll.u32 @p2 v38, $0x2  }
0xa3: {  	[tilespmem:v14+s20+$0x0] =	vst.idx.msk @p1 $0xffff, v20;
	p0 =	por p4, p5;
	s21 =	simm.s32 @!p2 $0x0;
	v14 =	vand.u32 @p2 $0x7F, v38;
	v15 =	vand.u32 @p2 $0xFFFFFE00, v15  }
0xa4: {  	[tilespmem:v16+s20+$0x0] =	vst.idx.msk @p1 $0xffff, v19;
	p0 =	por p3, p0;
	s19 =	sadd.s32 s21, s19;
	v14 =	vor.u32 @p2 v14, v15  }
0xa5: {  	[tilespmem:v17+s20+$0x0] =	vst.idx.msk @p1 $0xffff, v18;
	s20 =	simm.s32 @p1 $0x19480;
	p0 =	por !p0, !p0;
	p6 =	slt.s32 s19, $0x12C;
	v15 =	vor.u32 @p2 $0x80, v14  }
0xa6: {  	[tilespmem:v47+s20+$0x0] =	vst.idx.msk @p1 $0xffff, v36;
	s20 =	simm.s32 @p1 $0x19600;
	p0 =	por !p0, !p6;
	v16 =	vor.u32 @p2 $0x100, v14  }
0xa7: {  	[tilespmem:v47+s20+$0x0] =	vst.idx.msk @p1 $0xffff, v35;
	s20 =	simm.s32 @p1 $0x19780;
	v17 =	vor.u32 @p2 $0x180, v14;
	p0 =	por !p0, !p0  }
0xa8: {  	[tilespmem:v47+s20+$0x0] =	vst.idx.msk @p1 $0xffff, v39;
	s20 =	simm.s32 @p2 $0x18E80;
	v18 =	vmov @p0 s19  }
0xa9: {  	[tilespmem:v14+s20+$0x0] =	vst.idx.msk @p2 $0xffff, v24;
	v14 =	vshll.u32 @p0 v18, $0x2  }
0xaa: {  	[tilespmem:v15+s20+$0x0] =	vst.idx.msk @p2 $0xffff, v25;
	v15 =	vand.u32 @p0 $0x7F, v18;
	v14 =	vand.u32 @p0 $0xFFFFFE00, v14  }
0xab: {  	[tilespmem:v16+s20+$0x0] =	vst.idx.msk @p2 $0xffff, v26;
	v14 =	vor.u32 @p0 v15, v14  }
0xac: {  	s21 =	simm.s32 $0x1;
	[tilespmem:v17+s20+$0x0] =	vst.idx.msk @p2 $0xffff, v27;
	s20 =	simm.s32 @p2 $0x19480;
	v15 =	vor.u32 @p0 $0x80, v14  }
0xad: {  	s21 =	simm.s32 @!p0 $0x0;
	v16 =	vor.u32 @p0 $0x100, v14;
	[tilespmem:v38+s20+$0x0] =	vst.idx.msk @p2 $0xffff, v33;
	s20 =	simm.s32 @p2 $0x19600  }
0xae: {  	s19 =	sadd.s32 s21, s19;
	v17 =	vor.u32 @p0 $0x180, v14;
	[tilespmem:v38+s20+$0x0] =	vst.idx.msk @p2 $0xffff, v32;
	s20 =	simm.s32 @p2 $0x19780  }
0xaf: {  	p1 =	sgt.s32 s19, $0x12B;
	[tilespmem:v38+s20+$0x0] =	vst.idx.msk @p2 $0xffff, v37;
	s20 =	simm.s32 @p0 $0x18E80  }
0xb0: {  	p2 =	slt.u32 @!p1 s18, $0x176C;
	[tilespmem:v14+s20+$0x0] =	vst.idx.msk @p0 $0xffff, v29  }
0xb1: {  	p1 =	por p1, !p2;
	[tilespmem:v15+s20+$0x0] =	vst.idx.msk @p0 $0xffff, v30  }
.Ltmp6:
0xb2: {  	[tilespmem:v16+s20+$0x0] =	vst.idx.msk @p0 $0xffff, v22;
	(pc) =	sbr.rel @p1 .LBB2_22-.Ltmp6, $4  }
0xb3: {  	[tilespmem:v17+s20+$0x0] =	vst.idx.msk @p0 $0xffff, v23;
	s20 =	simm.s32 @p0 $0x19480  }
0xb4: {  	[tilespmem:v18+s20+$0x0] =	vst.idx.msk @p0 $0xffff, v31;
	s20 =	simm.s32 @p0 $0x19600  }
0xb5: {  	[tilespmem:v18+s20+$0x0] =	vst.idx.msk @p0 $0xffff, v28;
	s20 =	simm.s32 @p0 $0x19780  }
0xb6: {  	s18 =	sadd.s32 $0x4, s18;
	[tilespmem:v18+s20+$0x0] =	vst.idx.msk @p0 $0xffff, v34  }
.LBB2_11:
0xb7: {  	v14 =	vld [tilespmem:$0x18E00]  }
0xb8: {  	v15 =	vld [tilespmem:$0x18E10]  }
0xb9: {  	v16 =	vld [tilespmem:$0x18E20]  }
0xba: {  	v17 =	vld [tilespmem:$0x18E30];
	_ =	sdelay $0x3  }
0xbb: {  	v18 =	vld [tilespmem:$0x18E40]  }
0xbc: {  	vm1 =	vgt.f32 v15, v14;
	vm2 =	vgt.f32 v17, v16  }
0xbd: {  	v14 =	vsel vm1, v15, v14;
	v15 =	vsel vm2, v17, v16  }
0xbe: {  	vm3 =	vgt.f32 v15, v14  }
0xbf: {  	v14 =	vsel vm3, v15, v14  }
0xc0: {  	vm4 =	vgt.f32 v18, v14  }
0xc1: {  	v14 =	vsel vm4, v18, v14  }
0xc2: {  	(xrf0) =	vmax.scan.msk.f32 $0xffff, v14;
	_ =	sdelay $0x5  }
0xc3: {  	v16 =	vsel vm2, v8, v7;
	v15 =	vsel vm1, v6, v0;
	v17, _, _ =	vpop (xrf0)  }
0xc4: {  	v15 =	vsel vm3, v16, v15;
	v16 =	vbroadcast v17, $0xF  }
0xc5: {  	v15 =	vor.u32 $0x80000000, v15  }
0xc6: {  	vm1 =	veq.f32 v14, v16;
	v14 =	vsel vm4, v9, v15  }
0xc7: {  	v14 =	vnsel vm1, $0x87FFFFFF, v14  }
0xc8: {  	(xrf0) =	vmin.scan.msk.u32 $0xffff, v14;
	_ =	sdelay $0x5  }
0xc9: {  	v14, _, _ =	vpop (xrf0)  }
0xca: {  	(v2sf) =	vpush v14, $0xF;
	_ =	sdelay $0xe  }
0xcb: {  	s20 =	spop (v2sf)  }
0xcc: {  	s21 =	sshll.u32 s20, $0x4  }
0xcd: {  	v14 =	vor.u32 s21, v0;
	_ =	sdelay $0x4  }
0xce: {  	v14 =	vld.idx.msk [tilespmem:v14+s9+$0x0], $0xffff;
	_ =	sdelay $0x4  }
0xcf: {  	(xrf0) =	vmax.scan.msk.f32 $0xffff, v14;
	_ =	sdelay $0x5  }
0xd0: {  	v15, _, _ =	vpop (xrf0)  }
0xd1: {  	v15 =	vbroadcast v15, $0xF;
	_ =	sdelay $0x1  }
0xd2: {  	vm1 =	veq.f32 v14, v15  }
0xd3: {  	v15 =	vmctz.xlane vm1;
	_ =	sdelay $0x1  }
0xd4: {  	v16 =	vadd.s32 s21, v15  }
0xd5: {  	v17 =	vshll.u32 v16, $0x4  }
0xd6: {  	v18 =	vor.u32 v0, v17;
	_ =	sdelay $0x4  }
0xd7: {  	v18 =	vld.idx.msk [tilespmem:v18+s17+$0x0], $0xffff;
	_ =	sdelay $0x4  }
0xd8: {  	(xrf0) =	vmax.scan.msk.f32 $0xffff, v18;
	_ =	sdelay $0x5  }
0xd9: {  	v19, _, _ =	vpop (xrf0)  }
0xda: {  	v19 =	vbroadcast v19, $0xF;
	_ =	sdelay $0x1  }
0xdb: {  	vm1 =	veq.f32 v18, v19  }
0xdc: {  	v19 =	vmctz.xlane vm1;
	_ =	sdelay $0x1  }
0xdd: {  	vm1 =	veq.s32 v19, v0  }
0xde: {  	v18 =	vsel vm1, $0xFF800000, v18  }
0xdf: {  	(xrf0) =	vmax.scan.msk.f32 $0xffff, v18;
	_ =	sdelay $0x5  }
0xe0: {  	v18, _, _ =	vpop (xrf0)  }
0xe1: {  	v18 =	vbroadcast v18, $0xF  }
0xe2: {  	vm1 =	veq.s32 v15, v0  }
0xe3: {  	v14 =	vsel vm1, v18, v14  }
0xe4: {  	(xrf0) =	vmax.scan.msk.f32 $0xffff, v14;
	_ =	sdelay $0x1  }
0xe5: {  	v14 =	vadd.s32 v19, v17  }
0xe6: {  	s20 =	sxor.u32 $0x80000000, s20  }
0xe7: {  	v15 =	vmov s20;
	_ =	sdelay $0x1  }
0xe8: {  	v17, _, _ =	vpop (xrf0)  }
0xe9: {  	[tilespmem:v14+s17+$0x0] =	vst.idx.msk $0xffff, v2;
	v17 =	vbroadcast v17, $0xF  }
0xea: {  	[tilespmem:v16+s9+$0x0] =	vst.idx.msk $0xffff, v18  }
0xeb: {  	[tilespmem:v15+s10+$0x0] =	vst.idx.msk $0xffff, v17  }
0xec: {  	v15 =	vld [tilespmem:$0x18E00]  }
0xed: {  	v16 =	vld [tilespmem:$0x18E10]  }
0xee: {  	v17 =	vld [tilespmem:$0x18E20]  }
0xef: {  	v18 =	vld [tilespmem:$0x18E30];
	_ =	sdelay $0x3  }
0xf0: {  	v19 =	vld [tilespmem:$0x18E40]  }
0xf1: {  	vm1 =	vgt.f32 v16, v15;
	vm2 =	vgt.f32 v18, v17  }
0xf2: {  	v15 =	vsel vm1, v16, v15;
	v16 =	vsel vm2, v18, v17  }
0xf3: {  	vm3 =	vgt.f32 v16, v15  }
0xf4: {  	v15 =	vsel vm3, v16, v15  }
0xf5: {  	vm13 =	vgt.f32 v19, v15  }
0xf6: {  	v15 =	vsel vm13, v19, v15  }
0xf7: {  	(xrf0) =	vmax.scan.msk.f32 $0xffff, v15;
	_ =	sdelay $0x5  }
0xf8: {  	v17 =	vsel vm2, v8, v7;
	v16 =	vsel vm1, v6, v0;
	v18, _, _ =	vpop (xrf0)  }
0xf9: {  	v16 =	vsel vm3, v17, v16;
	v17 =	vbroadcast v18, $0xF  }
0xfa: {  	v16 =	vor.u32 $0x80000000, v16  }
0xfb: {  	vm1 =	veq.f32 v15, v17;
	v15 =	vsel vm13, v9, v16  }
0xfc: {  	v15 =	vnsel vm1, $0x87FFFFFF, v15  }
0xfd: {  	(xrf0) =	vmin.scan.msk.u32 $0xffff, v15;
	_ =	sdelay $0x5  }
0xfe: {  	v15, _, _ =	vpop (xrf0)  }
0xff: {  	(v2sf) =	vpush v15, $0xF;
	_ =	sdelay $0xe  }
0x100: {  	s22 =	spop (v2sf)  }
0x101: {  	s23 =	sshll.u32 s22, $0x4  }
0x102: {  	v15 =	vor.u32 s23, v0;
	_ =	sdelay $0x4  }
0x103: {  	v15 =	vld.idx.msk [tilespmem:v15+s9+$0x0], $0xffff;
	_ =	sdelay $0x4  }
0x104: {  	(xrf0) =	vmax.scan.msk.f32 $0xffff, v15;
	_ =	sdelay $0x5  }
0x105: {  	v16, _, _ =	vpop (xrf0)  }
0x106: {  	v16 =	vbroadcast v16, $0xF;
	_ =	sdelay $0x1  }
0x107: {  	vm1 =	veq.f32 v15, v16  }
0x108: {  	v16 =	vmctz.xlane vm1;
	_ =	sdelay $0x1  }
0x109: {  	v18 =	vadd.s32 s23, v16  }
0x10a: {  	v17 =	vshll.u32 v18, $0x4  }
0x10b: {  	v19 =	vor.u32 v0, v17;
	_ =	sdelay $0x4  }
0x10c: {  	v19 =	vld.idx.msk [tilespmem:v19+s17+$0x0], $0xffff;
	_ =	sdelay $0x4  }
0x10d: {  	(xrf0) =	vmax.scan.msk.f32 $0xffff, v19;
	_ =	sdelay $0x5  }
0x10e: {  	v20, _, _ =	vpop (xrf0)  }
0x10f: {  	v20 =	vbroadcast v20, $0xF;
	_ =	sdelay $0x1  }
0x110: {  	vm1 =	veq.f32 v19, v20  }
0x111: {  	v20 =	vmctz.xlane vm1;
	_ =	sdelay $0x1  }
0x112: {  	vm1 =	veq.s32 v20, v0  }
0x113: {  	v19 =	vsel vm1, $0xFF800000, v19  }
0x114: {  	(xrf0) =	vmax.scan.msk.f32 $0xffff, v19;
	_ =	sdelay $0x5  }
0x115: {  	v21, _, _ =	vpop (xrf0)  }
0x116: {  	v19 =	vshll.u32 v14, $0x2;
	v21 =	vbroadcast v21, $0xF  }
0x117: {  	vm1 =	veq.s32 v16, v0;
	v14 =	vand.u32 $0x7F, v14;
	v19 =	vand.u32 $0xFFFFFE00, v19  }
0x118: {  	v14 =	vor.u32 v14, v19;
	v15 =	vsel vm1, v21, v15  }
0x119: {  	v16 =	vor.u32 $0x80, v14;
	(xrf0) =	vmax.scan.msk.f32 $0xffff, v15  }
0x11a: {  	v19 =	vor.u32 $0x100, v14  }
0x11b: {  	v20 =	vadd.s32 v20, v17;
	v22 =	vor.u32 $0x180, v14  }
0x11c: {  	s20 =	sxor.u32 $0x80000000, s22  }
0x11d: {  	v23 =	vmov s20;
	v17 =	vld.idx.msk [tilespmem:v14+s7+$0x0], $0xffff  }
0x11e: {  	v16 =	vld.idx.msk [tilespmem:v16+s7+$0x0], $0xffff  }
0x11f: {  	v15 =	vld.idx.msk [tilespmem:v19+s7+$0x0], $0xffff;
	v19, _, _ =	vpop (xrf0)  }
0x120: {  	v14 =	vld.idx.msk [tilespmem:v22+s7+$0x0], $0xffff;
	[tilespmem:v20+s17+$0x0] =	vst.idx.msk $0xffff, v2;
	v19 =	vbroadcast v19, $0xF  }
0x121: {  	[tilespmem:v18+s9+$0x0] =	vst.idx.msk $0xffff, v21  }
0x122: {  	[tilespmem:v23+s10+$0x0] =	vst.idx.msk $0xffff, v19  }
0x123: {  	v18 =	vld [tilespmem:$0x18E00]  }
0x124: {  	v19 =	vld [tilespmem:$0x18E10]  }
0x125: {  	v21 =	vld [tilespmem:$0x18E20]  }
0x126: {  	v22 =	vld [tilespmem:$0x18E30];
	_ =	sdelay $0x3  }
0x127: {  	v23 =	vld [tilespmem:$0x18E40]  }
0x128: {  	vm1 =	vgt.f32 v19, v18;
	vm2 =	vgt.f32 v22, v21  }
0x129: {  	v18 =	vsel vm1, v19, v18;
	v19 =	vsel vm2, v22, v21  }
0x12a: {  	vm3 =	vgt.f32 v19, v18  }
0x12b: {  	v18 =	vsel vm3, v19, v18  }
0x12c: {  	vm14 =	vgt.f32 v23, v18  }
0x12d: {  	v18 =	vsel vm14, v23, v18  }
0x12e: {  	(xrf0) =	vmax.scan.msk.f32 $0xffff, v18;
	_ =	sdelay $0x5  }
0x12f: {  	v21 =	vsel vm2, v8, v7;
	v19 =	vsel vm1, v6, v0;
	v22, _, _ =	vpop (xrf0)  }
0x130: {  	v19 =	vsel vm3, v21, v19;
	v21 =	vbroadcast v22, $0xF  }
0x131: {  	v19 =	vor.u32 $0x80000000, v19  }
0x132: {  	vm1 =	veq.f32 v18, v21;
	v18 =	vsel vm14, v9, v19  }
0x133: {  	v18 =	vnsel vm1, $0x87FFFFFF, v18  }
0x134: {  	(xrf0) =	vmin.scan.msk.u32 $0xffff, v18;
	_ =	sdelay $0x5  }
0x135: {  	v18, _, _ =	vpop (xrf0)  }
0x136: {  	(v2sf) =	vpush v18, $0xF;
	_ =	sdelay $0xe  }
0x137: {  	s24 =	spop (v2sf)  }
0x138: {  	s25 =	sshll.u32 s24, $0x4  }
0x139: {  	v18 =	vor.u32 s25, v0;
	_ =	sdelay $0x4  }
0x13a: {  	v18 =	vld.idx.msk [tilespmem:v18+s9+$0x0], $0xffff;
	_ =	sdelay $0x4  }
0x13b: {  	(xrf0) =	vmax.scan.msk.f32 $0xffff, v18;
	_ =	sdelay $0x5  }
0x13c: {  	v19, _, _ =	vpop (xrf0)  }
0x13d: {  	v19 =	vbroadcast v19, $0xF;
	_ =	sdelay $0x1  }
0x13e: {  	vm1 =	veq.f32 v18, v19  }
0x13f: {  	v19 =	vmctz.xlane vm1;
	_ =	sdelay $0x1  }
0x140: {  	v22 =	vadd.s32 s25, v19  }
0x141: {  	v21 =	vshll.u32 v22, $0x4  }
0x142: {  	v23 =	vor.u32 v0, v21;
	_ =	sdelay $0x4  }
0x143: {  	v23 =	vld.idx.msk [tilespmem:v23+s17+$0x0], $0xffff;
	_ =	sdelay $0x4  }
0x144: {  	(xrf0) =	vmax.scan.msk.f32 $0xffff, v23;
	_ =	sdelay $0x5  }
0x145: {  	v24, _, _ =	vpop (xrf0)  }
0x146: {  	v24 =	vbroadcast v24, $0xF;
	_ =	sdelay $0x1  }
0x147: {  	vm1 =	veq.f32 v23, v24  }
0x148: {  	v24 =	vmctz.xlane vm1;
	_ =	sdelay $0x1  }
0x149: {  	vm1 =	veq.s32 v24, v0  }
0x14a: {  	v23 =	vsel vm1, $0xFF800000, v23  }
0x14b: {  	(xrf0) =	vmax.scan.msk.f32 $0xffff, v23;
	_ =	sdelay $0x5  }
0x14c: {  	v25, _, _ =	vpop (xrf0)  }
0x14d: {  	v23 =	vshll.u32 v20, $0x2;
	v25 =	vbroadcast v25, $0xF  }
0x14e: {  	vm1 =	veq.s32 v19, v0;
	v20 =	vand.u32 $0x7F, v20;
	v23 =	vand.u32 $0xFFFFFE00, v23  }
0x14f: {  	v20 =	vor.u32 v20, v23;
	v18 =	vsel vm1, v25, v18  }
0x150: {  	v19 =	vor.u32 $0x80, v20;
	(xrf0) =	vmax.scan.msk.f32 $0xffff, v18  }
0x151: {  	v23 =	vor.u32 $0x100, v20  }
0x152: {  	v24 =	vadd.s32 v24, v21;
	v18 =	vor.u32 $0x180, v20  }
0x153: {  	s20 =	sxor.u32 $0x80000000, s24  }
0x154: {  	v26 =	vmov s20;
	v21 =	vld.idx.msk [tilespmem:v20+s7+$0x0], $0xffff  }
0x155: {  	v20 =	vld.idx.msk [tilespmem:v19+s7+$0x0], $0xffff  }
0x156: {  	v19 =	vld.idx.msk [tilespmem:v23+s7+$0x0], $0xffff;
	v23, _, _ =	vpop (xrf0)  }
0x157: {  	v18 =	vld.idx.msk [tilespmem:v18+s7+$0x0], $0xffff;
	[tilespmem:v24+s17+$0x0] =	vst.idx.msk $0xffff, v2;
	v23 =	vbroadcast v23, $0xF  }
0x158: {  	[tilespmem:v22+s9+$0x0] =	vst.idx.msk $0xffff, v25  }
0x159: {  	[tilespmem:v26+s10+$0x0] =	vst.idx.msk $0xffff, v23  }
0x15a: {  	v22 =	vld [tilespmem:$0x18E00]  }
0x15b: {  	v23 =	vld [tilespmem:$0x18E10]  }
0x15c: {  	v25 =	vld [tilespmem:$0x18E20]  }
0x15d: {  	v26 =	vld [tilespmem:$0x18E30];
	_ =	sdelay $0x3  }
0x15e: {  	v27 =	vld [tilespmem:$0x18E40]  }
0x15f: {  	vm1 =	vgt.f32 v23, v22;
	vm2 =	vgt.f32 v26, v25  }
0x160: {  	v22 =	vsel vm1, v23, v22;
	v23 =	vsel vm2, v26, v25  }
0x161: {  	vm3 =	vgt.f32 v23, v22  }
0x162: {  	v22 =	vsel vm3, v23, v22  }
0x163: {  	vm15 =	vgt.f32 v27, v22  }
0x164: {  	v22 =	vsel vm15, v27, v22  }
0x165: {  	(xrf0) =	vmax.scan.msk.f32 $0xffff, v22;
	_ =	sdelay $0x5  }
0x166: {  	v25 =	vsel vm2, v8, v7;
	v23 =	vsel vm1, v6, v0;
	v26, _, _ =	vpop (xrf0)  }
0x167: {  	v23 =	vsel vm3, v25, v23;
	v25 =	vbroadcast v26, $0xF  }
0x168: {  	v23 =	vor.u32 $0x80000000, v23  }
0x169: {  	vm1 =	veq.f32 v22, v25;
	v22 =	vsel vm15, v9, v23  }
0x16a: {  	v22 =	vnsel vm1, $0x87FFFFFF, v22  }
0x16b: {  	(xrf0) =	vmin.scan.msk.u32 $0xffff, v22;
	_ =	sdelay $0x5  }
0x16c: {  	v22, _, _ =	vpop (xrf0)  }
0x16d: {  	(v2sf) =	vpush v22, $0xF;
	_ =	sdelay $0xe  }
0x16e: {  	s26 =	spop (v2sf)  }
0x16f: {  	s28 =	sshll.u32 s26, $0x4  }
0x170: {  	v22 =	vor.u32 s28, v0;
	_ =	sdelay $0x4  }
0x171: {  	v22 =	vld.idx.msk [tilespmem:v22+s9+$0x0], $0xffff;
	_ =	sdelay $0x4  }
0x172: {  	(xrf0) =	vmax.scan.msk.f32 $0xffff, v22;
	_ =	sdelay $0x5  }
0x173: {  	v23, _, _ =	vpop (xrf0)  }
0x174: {  	v23 =	vbroadcast v23, $0xF;
	_ =	sdelay $0x1  }
0x175: {  	vm1 =	veq.f32 v22, v23  }
0x176: {  	v23 =	vmctz.xlane vm1;
	_ =	sdelay $0x1  }
0x177: {  	v28 =	vadd.s32 s28, v23  }
0x178: {  	v25 =	vshll.u32 v28, $0x4  }
0x179: {  	v26 =	vor.u32 v0, v25;
	_ =	sdelay $0x4  }
0x17a: {  	v26 =	vld.idx.msk [tilespmem:v26+s17+$0x0], $0xffff;
	_ =	sdelay $0x4  }
0x17b: {  	(xrf0) =	vmax.scan.msk.f32 $0xffff, v26;
	_ =	sdelay $0x5  }
0x17c: {  	v27, _, _ =	vpop (xrf0)  }
0x17d: {  	v27 =	vbroadcast v27, $0xF;
	_ =	sdelay $0x1  }
0x17e: {  	vm1 =	veq.f32 v26, v27  }
0x17f: {  	v27 =	vmctz.xlane vm1;
	_ =	sdelay $0x1  }
0x180: {  	vm1 =	veq.s32 v27, v0  }
0x181: {  	v26 =	vsel vm1, $0xFF800000, v26  }
0x182: {  	(xrf0) =	vmax.scan.msk.f32 $0xffff, v26;
	_ =	sdelay $0x5  }
0x183: {  	v26 =	vshll.u32 v24, $0x2;
	v29, _, _ =	vpop (xrf0)  }
0x184: {  	v24 =	vand.u32 $0x7F, v24;
	v26 =	vand.u32 $0xFFFFFE00, v26;
	v29 =	vbroadcast v29, $0xF  }
0x185: {  	vm1 =	veq.s32 v23, v0;
	v24 =	vor.u32 v24, v26  }
0x186: {  	v23 =	vor.u32 $0x80, v24;
	v22 =	vsel vm1, v29, v22  }
0x187: {  	v26 =	vor.u32 $0x100, v24;
	(xrf0) =	vmax.scan.msk.f32 $0xffff, v22  }
0x188: {  	v30 =	vadd.s32 v27, v25;
	v22 =	vor.u32 $0x180, v24  }
0x189: {  	v25 =	vshll.u32 v30, $0x2  }
0x18a: {  	s20 =	sxor.u32 $0x80000000, s26;
	v27 =	vand.u32 $0x7F, v30;
	v31 =	vand.u32 $0xFFFFFE00, v25  }
0x18b: {  	v31 =	vor.u32 v27, v31;
	v25 =	vld.idx.msk [tilespmem:v23+s7+$0x0], $0xffff;
	v23 =	vmov s20  }
0x18c: {  	v32 =	vor.u32 $0x100, v31;
	v26 =	vld.idx.msk [tilespmem:v26+s7+$0x0], $0xffff  }
0x18d: {  	v33 =	vor.u32 $0x180, v31;
	v27 =	vld.idx.msk [tilespmem:v22+s7+$0x0], $0xffff;
	v22, _, _ =	vpop (xrf0)  }
0x18e: {  	v24 =	vld.idx.msk [tilespmem:v24+s7+$0x0], $0xffff;
	[tilespmem:v30+s17+$0x0] =	vst.idx.msk $0xffff, v2;
	v22 =	vbroadcast v22, $0xF  }
0x18f: {  	[tilespmem:v28+s9+$0x0] =	vst.idx.msk $0xffff, v29;
	v28 =	vor.u32 $0x80, v31  }
0x190: {  	[tilespmem:v23+s10+$0x0] =	vst.idx.msk $0xffff, v22  }
0x191: {  	v22 =	vld.idx.msk [tilespmem:v32+s7+$0x0], $0xffff  }
0x192: {  	s29 =	sadd.s32 $0xF, s19;
	v23 =	vld.idx.msk [tilespmem:v33+s7+$0x0], $0xffff  }
0x193: {  	s30 =	sand.u32 $0xF, s29;
	v38 =	vadd.f32 $1.000000000e+00, v14;
	v40 =	vadd.f32 $1.000000000e+00, v15;
	v29 =	vld.idx.msk [tilespmem:v31+s7+$0x0], $0xffff  }
0x194: {  	p1 =	slt.s32 s19, $0xFFFFFFF2;
	s31 =	sshra.s32 s29, $0x1F;
	p0 =	sne.s32 s30, $0x0;
	v36 =	vadd.f32 $1.000000000e+00, v19;
	v35 =	vadd.f32 $1.000000000e+00, v18;
	v30 =	vld.idx.msk [tilespmem:v28+s7+$0x0], $0xffff  }
0x195: {  	p0 =	por !p1, !p0;
	s21 =	sshrl.u32 s31, $0x1C;
	v37 =	vsub.f32 v38, v16;
	v34 =	vsub.f32 v40, v17  }
0x196: {  	p0 =	por !p0, !p0;
	v39 =	vsub.f32 v36, v21;
	v41 =	vsub.f32 v35, v20;
	s20 =	sadd.s32 s21, s29;
	s21 =	simm.s32 $0x1  }
0x197: {  	s20 =	sshra.s32 s20, $0x4;
	s21 =	simm.s32 @!p0 $0x0;
	v31 =	vadd.f32 $1.000000000e+00, v22;
	v28 =	vadd.f32 $1.000000000e+00, v23  }
0x198: {  	s20 =	ssub.s32 s20, s21;
	v33 =	vadd.f32 $1.000000000e+00, v26;
	v32 =	vadd.f32 $1.000000000e+00, v27  }
0x199: {  	p0 =	slt.s32 s20, $0x1;
	v44 =	vsub.f32 v31, v29;
	v45 =	vsub.f32 v28, v30  }
.Ltmp7:
0x19a: {  	v42 =	vsub.f32 v33, v24;
	v43 =	vsub.f32 v32, v25;
	(pc) =	sbr.rel @p0 .LBB2_12-.Ltmp7, $4  }
0x19b: {  	v34 =	vmul.f32 v37, v34;
	v63 =	vmul.f32 v45, v44  }
0x19c: {  	v62 =	vmul.f32 v41, v39;
	v42 =	vmul.f32 v43, v42  }
0x19d: {  	v41 =	vmul.f32 $6.999999880e-01, v34;
	v34 =	vmul.f32 $6.999999880e-01, v63  }
0x19e: {  	v39 =	vmul.f32 $6.999999880e-01, v62;
	v37 =	vmul.f32 $6.999999880e-01, v42  }
0x19f: {  	p2 =	sne.s32 s20, $0x1  }
.Ltmp8:
0x1a0: {  	_ = 	snop;
	(pc) =	sbr.rel @!p2 .LBB2_14-.Ltmp8, $2  }
0x1a1: {  	_ =	sdelay $0x2  }
0x1a2: {  	v53 =	vmov s17;
	v42 =	vor.u32 s17, v0;
	s21 =	sadd.s32 $0xFFFFFFFF, s20;
	p0 =	por $0x0, $0x0;
	p1 =	por $0x0, $0x0  }
0x1a3: {  	v43 =	vshll.u32 v53, $0x2  }
0x1a4: {  	v44 =	vand.u32 $0x7F, v42;
	v43 =	vand.u32 $0xFFFFFE00, v43  }
0x1a5: {  	v43 =	vor.u32 v44, v43  }
0x1a6: {  	v44 =	vor.u32 $0x80, v43  }
0x1a7: {  	v47 =	vld.idx.msk [tilespmem:v42+s12+$0x0], $0xffff  }
0x1a8: {  	v48 =	vld.idx.msk [tilespmem:v42+s13+$0x0], $0xffff;
	_ =	sdelay $0x1  }
0x1a9: {  	v43 =	vld.idx.msk [tilespmem:v43+s11+$0x0], $0xffff  }
0x1aa: {  	s20 =	sadd.s32 $0x10, s17;
	v49 =	vld.idx.msk [tilespmem:v44+s11+$0x0], $0xffff  }
0x1ab: {  	v53 =	vmov s20;
	v51 =	vmin.f32 v40, v47;
	v45 =	vmin.f32 v36, v47  }
0x1ac: {  	v50 =	vmin.f32 v38, v48;
	v52 =	vmin.f32 v35, v48;
	v63 =	vmin.f32 v32, v48  }
0x1ad: {  	v48 =	vmin.f32 v28, v48;
	v44 =	vmin.f32 v33, v47;
	v47 =	vmin.f32 v31, v47  }
0x1ae: {  	p2 =	sne.s32 s21, $0x1;
	v54 =	vmax.f32 v17, v43;
	v46 =	vmax.f32 v21, v43;
	v55 =	vmax.f32 v29, v43  }
.Ltmp9:
0x1af: {  	v56 =	vmax.f32 v30, v49;
	v57 =	vmax.f32 v16, v49;
	v55 =	vsub.f32 v47, v55;
	(pc) =	sbr.rel @!p2 .LBB2_16-.Ltmp9, $4  }
0x1b0: {  	v58 =	vmax.f32 v20, v49;
	v59 =	vmax.f32 v25, v49;
	v56 =	vsub.f32 v48, v56  }
0x1b1: {  	v51 =	vsub.f32 v51, v54;
	v48 =	vmax.f32 v24, v43;
	v47 =	vsub.f32 v50, v57  }
0x1b2: {  	v49 =	vsub.f32 v52, v58;
	v55 =	vmax.f32 v55, $0.0e+00;
	v56 =	vmax.f32 v56, $0.0e+00  }
0x1b3: {  	s21 =	sadd.s32 $0xFFFFFFFF, s21;
	p0 =	por $0x1, $0x1;
	v43 =	vld.idx.msk [tilespmem:v42+s14+$0x0], $0xffff;
	v50 =	vsub.f32 v63, v59;
	v42 =	vor.u32 s20, v0;
	v52 =	vmul.f32 v56, v55  }
0x1b4: {  	_ = 	snop  }
0x1b5: {  	v53 =	vshll.u32 v53, $0x2;
	v54 =	vand.u32 $0x7F, v42  }
0x1b6: {  	v45 =	vsub.f32 v45, v46;
	v44 =	vsub.f32 v44, v48;
	v47 =	vmax.f32 v47, $0.0e+00  }
0x1b7: {  	v51 =	vmax.f32 v51, $0.0e+00;
	v49 =	vmax.f32 v49, $0.0e+00;
	v53 =	vand.u32 $0xFFFFFE00, v53  }
0x1b8: {  	v63 =	vld.idx.msk [tilespmem:v42+s13+$0x0], $0xffff;
	vm5 =	vmmov vm0;
	vm6 =	vmmov vm0;
	v60 =	vor.u32 v54, v53  }
0x1b9: {  	v52 =	vmul.f32 $1.700000050e+00, v52;
	v50 =	vmax.f32 v50, $0.0e+00;
	v61 =	vor.u32 $0x80, v60  }
0x1ba: {  	v62 =	vld.idx.msk [tilespmem:v42+s12+$0x0], $0xffff;
	v47 =	vmul.f32 v47, v51;
	v45 =	vmax.f32 v45, $0.0e+00;
	v44 =	vmax.f32 v44, $0.0e+00  }
0x1bb: {  	v45 =	vmul.f32 v49, v45;
	v44 =	vmul.f32 v50, v44;
	v55 =	vadd.f32 v43, v34  }
0x1bc: {  	v47 =	vmul.f32 $1.700000050e+00, v47;
	v58 =	vadd.f32 v43, v41;
	v59 =	vadd.f32 v43, v39  }
0x1bd: {  	v45 =	vmul.f32 $1.700000050e+00, v45;
	v44 =	vmul.f32 $1.700000050e+00, v44;
	v50 =	vmin.f32 v35, v63;
	v53 =	vld.idx.msk [tilespmem:v60+s11+$0x0], $0xffff  }
0x1be: {  	v49 =	vmin.f32 v28, v63;
	vm1 =	vgt.f32 v52, v55;
	vm2 =	vgt.f32 v47, v58;
	v54 =	vld.idx.msk [tilespmem:v61+s11+$0x0], $0xffff  }
0x1bf: {  	v55 =	vmin.f32 v40, v62;
	v52 =	vmin.f32 v32, v63;
	v60 =	vadd.f32 v43, v37  }
0x1c0: {  	vm1 =	vmor vm0, vm1;
	vm2 =	vmor vm0, vm2;
	vm3 =	vgt.f32 v45, v59  }
0x1c1: {  	v45 =	vmin.f32 v36, v62;
	v43 =	vmin.f32 v38, v63;
	v61 =	vmin.f32 v31, v62  }
0x1c2: {  	vm4 =	vgt.f32 v44, v60;
	v44 =	vmin.f32 v33, v62;
	v62 =	vmax.f32 v29, v53  }
0x1c3: {  	p2 =	sne.s32 s21, $0x1;
	v63 =	vmax.f32 v30, v54;
	v57 =	vmax.f32 v16, v54;
	v58 =	vsub.f32 v61, v62  }
.Ltmp10:
0x1c4: {  	v56 =	vmax.f32 v17, v53;
	v49 =	vsub.f32 v49, v63;
	v47 =	vsub.f32 v43, v57;
	v43 =	vld.idx.msk [tilespmem:v42+s14+$0x0], $0xffff;
	(pc) =	sbr.rel @!p2 .LBB2_18-.Ltmp10, $4  }
0x1c5: {  	v46 =	vmax.f32 v21, v53;
	v48 =	vmax.f32 v24, v53;
	v60 =	vmax.f32 v20, v54  }
0x1c6: {  	v61 =	vmax.f32 v25, v54;
	v62 =	vmax.f32 v58, $0.0e+00;
	v63 =	vmax.f32 v49, $0.0e+00  }
0x1c7: {  	s20 =	sadd.s32 $0x10, s20;
	v49 =	vsub.f32 v50, v60;
	v50 =	vsub.f32 v52, v61;
	v52 =	vmul.f32 v63, v62  }
0x1c8: {  	s21 =	sadd.s32 $0xFFFFFFFF, s21;
	p1 =	por $0x1, $0x1;
	v53 =	vmov s20;
	v51 =	vsub.f32 v55, v56;
	v42 =	vor.u32 s20, v0  }
.LBB2_19:
0x1c9: {  	p2 =	sne.s32 s21, $0x1;
	v53 =	vshll.u32 v53, $0x2;
	v52 =	vmul.f32 $1.700000050e+00, v52;
	v54 =	vadd.f32 v43, v34  }
0x1ca: {  	v55 =	vand.u32 $0x7F, v42;
	v45 =	vsub.f32 v45, v46;
	v53 =	vand.u32 $0xFFFFFE00, v53  }
0x1cb: {  	v44 =	vsub.f32 v44, v48;
	v46 =	vor.u32 v55, v53;
	vm7 =	vgt.f32 v52, v54  }
0x1cc: {  	v47 =	vmax.f32 v47, $0.0e+00;
	v48 =	vor.u32 $0x80, v46;
	vm1 =	vmor vm1, vm7  }
0x1cd: {  	v49 =	vmax.f32 v49, $0.0e+00;
	v50 =	vmax.f32 v50, $0.0e+00;
	v51 =	vmax.f32 v51, $0.0e+00  }
0x1ce: {  	v47 =	vmul.f32 v47, v51;
	v45 =	vmax.f32 v45, $0.0e+00;
	v44 =	vmax.f32 v44, $0.0e+00;
	v52 =	vld.idx.msk [tilespmem:v42+s12+$0x0], $0xffff  }
0x1cf: {  	v53 =	vadd.f32 v43, v41;
	v45 =	vmul.f32 v49, v45;
	v44 =	vmul.f32 v50, v44;
	v51 =	vld.idx.msk [tilespmem:v42+s13+$0x0], $0xffff  }
0x1d0: {  	v49 =	vld.idx.msk [tilespmem:v46+s11+$0x0], $0xffff;
	v46 =	vmul.f32 $1.700000050e+00, v47;
	v47 =	vadd.f32 v43, v39;
	v43 =	vadd.f32 v43, v37  }
0x1d1: {  	vm5 =	vmor vm5, vm3;
	v45 =	vmul.f32 $1.700000050e+00, v45;
	v44 =	vmul.f32 $1.700000050e+00, v44;
	v50 =	vld.idx.msk [tilespmem:v48+s11+$0x0], $0xffff  }
0x1d2: {  	vm6 =	vmor vm6, vm4;
	vm3 =	vgt.f32 v46, v53  }
0x1d3: {  	vm4 =	vgt.f32 v44, v43;
	vm2 =	vmor vm2, vm3;
	vm3 =	vgt.f32 v45, v47  }
0x1d4: {  	v54 =	vmin.f32 v40, v52;
	v45 =	vmin.f32 v36, v52;
	v44 =	vmin.f32 v33, v52  }
0x1d5: {  	v47 =	vmin.f32 v38, v51;
	v53 =	vmin.f32 v35, v51;
	v55 =	vmin.f32 v32, v51  }
0x1d6: {  	v48 =	vmin.f32 v31, v52;
	v56 =	vmax.f32 v17, v49;
	v46 =	vmax.f32 v21, v49  }
0x1d7: {  	v51 =	vmin.f32 v28, v51;
	v52 =	vmax.f32 v30, v50;
	v43 =	vld.idx.msk [tilespmem:v42+s14+$0x0], $0xffff;
	v42 =	vmax.f32 v29, v49  }
.Ltmp11:
0x1d8: {  	v57 =	vmax.f32 v16, v50;
	v51 =	vsub.f32 v51, v52;
	v42 =	vsub.f32 v48, v42;
	(pc) =	sbr.rel @p2 .LBB2_19-.Ltmp11, $4  }
0x1d9: {  	v52 =	vmax.f32 v20, v50;
	v50 =	vmax.f32 v25, v50;
	v48 =	vmax.f32 v24, v49  }
0x1da: {  	v47 =	vsub.f32 v47, v57;
	v51 =	vmax.f32 v51, $0.0e+00;
	v42 =	vmax.f32 v42, $0.0e+00  }
0x1db: {  	s20 =	sadd.s32 $0x10, s20;
	v49 =	vsub.f32 v53, v52;
	v50 =	vsub.f32 v55, v50;
	v52 =	vmul.f32 v51, v42  }
0x1dc: {  	s21 =	sadd.s32 $0xFFFFFFFF, s21;
	v53 =	vmov s20;
	v42 =	vor.u32 s20, v0;
	v51 =	vsub.f32 v54, v56  }
.LBB2_20:
0x1dd: {  	v53 =	vshll.u32 v53, $0x2;
	v52 =	vmul.f32 @p0 $1.700000050e+00, v52  }
0x1de: {  	v54 =	vadd.f32 @p0 v43, v34;
	v55 =	vand.u32 $0x7F, v42;
	v45 =	vsub.f32 @p0 v45, v46  }
0x1df: {  	v44 =	vsub.f32 @p0 v44, v48;
	v47 =	vmax.f32 @p0 v47, $0.0e+00;
	v49 =	vmax.f32 @p0 v49, $0.0e+00  }
0x1e0: {  	v50 =	vmax.f32 @p0 v50, $0.0e+00;
	vm5 =	vmor @p1 vm5, vm3;
	v53 =	vand.u32 $0xFFFFFE00, v53  }
0x1e1: {  	vm6 =	vmor @p1 vm6, vm4;
	v51 =	vmax.f32 @p0 v51, $0.0e+00;
	v56 =	vor.u32 v55, v53  }
0x1e2: {  	v58 =	vld.idx.msk [tilespmem:v42+s12+$0x0], $0xffff;
	vm7 =	vgt.f32 @p0 v52, v54;
	v47 =	vmul.f32 @p0 v47, v51;
	v45 =	vmax.f32 @p0 v45, $0.0e+00  }
0x1e3: {  	v59 =	vld.idx.msk [tilespmem:v42+s13+$0x0], $0xffff;
	v44 =	vmax.f32 @p0 v44, $0.0e+00;
	v52 =	vadd.f32 @p0 v43, v39;
	v57 =	vor.u32 $0x80, v56  }
0x1e4: {  	vm1 =	vmor @p0 vm1, vm7;
	v45 =	vmul.f32 @p0 v49, v45;
	v44 =	vmul.f32 @p0 v50, v44  }
0x1e5: {  	v50 =	vadd.f32 @p0 v43, v41;
	v43 =	vadd.f32 @p0 v43, v37;
	vm7 =	vmmov vm0  }
0x1e6: {  	v47 =	vmul.f32 @p0 $1.700000050e+00, v47;
	vm7 =	vmmov @p0 vm1;
	vm1 =	vmmov vm0  }
0x1e7: {  	v45 =	vmul.f32 @p0 $1.700000050e+00, v45;
	v44 =	vmul.f32 @p0 $1.700000050e+00, v44;
	v51 =	vmin.f32 v31, v58  }
0x1e8: {  	v42 =	vld.idx.msk [tilespmem:v42+s14+$0x0], $0xffff;
	v49 =	vmin.f32 v28, v59;
	vm1 =	vmmov @p1 vm5;
	vm5 =	vmmov vm0  }
0x1e9: {  	vm3 =	vgt.f32 @p0 v47, v50;
	v47 =	vmin.f32 v38, v59;
	v50 =	vmin.f32 v35, v59  }
0x1ea: {  	vm5 =	vmmov @p1 vm6;
	vm6 =	vmmov vm0;
	v46 =	vld.idx.msk [tilespmem:v56+s11+$0x0], $0xffff;
	vm2 =	vmor @p0 vm2, vm3  }
0x1eb: {  	vm3 =	vgt.f32 @p0 v45, v52;
	vm4 =	vgt.f32 @p0 v44, v43;
	v43 =	vmin.f32 v40, v58;
	v48 =	vld.idx.msk [tilespmem:v57+s11+$0x0], $0xffff  }
0x1ec: {  	v44 =	vmin.f32 v36, v58;
	v45 =	vmin.f32 v33, v58;
	v52 =	vmin.f32 v32, v59  }
0x1ed: {  	v58 =	vadd.f32 v42, v34;
	vm3 =	vmmov @p0 vm3;
	vm4 =	vmmov @p0 vm4  }
0x1ee: {  	vm6 =	vmmov @p0 vm2;
	vm1 =	vmor @p0 vm1, vm3;
	vm4 =	vmor @p0 vm5, vm4  }
0x1ef: {  	v60 =	vmax.f32 v17, v46;
	v61 =	vmax.f32 v21, v46;
	v62 =	vmax.f32 v29, v46  }
0x1f0: {  	v46 =	vmax.f32 v24, v46;
	v56 =	vmax.f32 v30, v48;
	v51 =	vsub.f32 v51, v62  }
0x1f1: {  	v57 =	vmax.f32 v16, v48;
	v43 =	vsub.f32 v43, v60;
	v44 =	vsub.f32 v44, v61  }
0x1f2: {  	v63 =	vmax.f32 v20, v48;
	v45 =	vsub.f32 v45, v46;
	v49 =	vsub.f32 v49, v56  }
0x1f3: {  	v48 =	vmax.f32 v25, v48;
	v47 =	vsub.f32 v47, v57;
	v50 =	vsub.f32 v50, v63  }
0x1f4: {  	v48 =	vsub.f32 v52, v48;
	v51 =	vmax.f32 v51, $0.0e+00;
	v43 =	vmax.f32 v43, $0.0e+00  }
0x1f5: {  	v44 =	vmax.f32 v44, $0.0e+00;
	v45 =	vmax.f32 v45, $0.0e+00;
	v49 =	vmax.f32 v49, $0.0e+00  }
0x1f6: {  	v59 =	vmax.f32 v47, $0.0e+00;
	v60 =	vmax.f32 v50, $0.0e+00;
	v49 =	vmul.f32 v49, v51  }
0x1f7: {  	v61 =	vmax.f32 v48, $0.0e+00;
	v43 =	vmul.f32 v59, v43;
	v44 =	vmul.f32 v60, v44  }
0x1f8: {  	v62 =	vadd.f32 v42, v41;
	v45 =	vmul.f32 v61, v45;
	v49 =	vmul.f32 $1.700000050e+00, v49  }
0x1f9: {  	v63 =	vadd.f32 v42, v39;
	v43 =	vmul.f32 $1.700000050e+00, v43;
	v44 =	vmul.f32 $1.700000050e+00, v44  }
0x1fa: {  	v42 =	vadd.f32 v42, v37;
	v45 =	vmul.f32 $1.700000050e+00, v45;
	vm2 =	vgt.f32 v49, v58  }
.Ltmp12:
0x1fb: {  	vm3 =	vgt.f32 v43, v62;
	vm14 =	vgt.f32 v44, v63;
	vm2 =	vmor vm7, vm2;
	(pc) =	sbr.rel .LBB2_21-.Ltmp12, $4  }
0x1fc: {  	vm3 =	vmor vm6, vm3;
	vm6 =	vmmov vm0;
	vm7 =	vmmov vm0  }
0x1fd: {  	vm6 =	vmmov @p0 vm1;
	vm1 =	vgt.f32 v45, v42;
	vm7 =	vmmov @p0 vm4  }
0x1fe: {  	v45 =	vsel vm3, $0x3F800000, v10;
	vm15 =	vmor vm6, vm14;
	vm1 =	vmor vm7, vm1  }
0x1ff: {  	v42 =	vsel vm2, $0x3F800000, v10;
	v44 =	vsel vm15, $0x3F800000, v10;
	v43 =	vsel vm1, $0x3F800000, v10  }
.LBB2_14:
.Ltmp13:
0x200: {  	(pc) =	sbr.rel .LBB2_20-.Ltmp13, $3  }
0x201: {  	_ =	sdelay $0x1  }
0x202: {  	vm1 =	vmmov vm0  }
0x203: {  	vm5 =	vmmov vm0;
	vm6 =	vmmov vm0;
	vm2 =	vmmov vm0  }
.LBB2_16:
.Ltmp14:
0x204: {  	(pc) =	sbr.rel .LBB2_20-.Ltmp14, $3  }
0x205: {  	_ =	sdelay $0x1  }
0x206: {  	vm1 =	vmmov vm0  }
0x207: {  	vm5 =	vmmov vm0;
	vm6 =	vmmov vm0;
	vm2 =	vmmov vm0  }
.LBB2_18:
.Ltmp15:
0x208: {  	(pc) =	sbr.rel .LBB2_20-.Ltmp15, $2  }
0x209: {  	_ =	sdelay $0x2  }
0x20a: {  	vm5 =	vmmov vm0;
	vm6 =	vmmov vm0  }
.LBB2_22:
0x20b: {  	s17 =	simm.s32 $0x0  }
0x20c: {  	v14 =	vmov s17  }
0x20d: {  	v19 =	vor.u32 s17, v0;
	v14 =	vshll.u32 v14, $0x2  }
0x20e: {  	v15 =	vand.u32 $0x7F, v19;
	v14 =	vand.u32 $0x600, v14  }
0x20f: {  	v20 =	vor.u32 v15, v14;
	_ =	sdelay $0x3  }
0x210: {  	v17 =	vld.msk [tilespmem:s11+$0x0], $0xffff  }
0x211: {  	v21 =	vld.idx.msk [tilespmem:v20+s11+$0x0], $0xffff;
	_ =	sdelay $0x1  }
0x212: {  	v22 =	vor.u32 $0x80, v20  }
0x213: {  	v18 =	vmov s19  }
0x214: {  	v16 =	vld.idx.msk [tilespmem:v11+s11+$0x0], $0xffff;
	vm1 =	vlt.s32 v19, v18  }
0x215: {  	v15 =	vld.idx.msk [tilespmem:v12+s11+$0x0], $0xffff;
	v19 =	vsel vm1, v21, v17  }
0x216: {  	v14 =	vld.idx.msk [tilespmem:v13+s11+$0x0], $0xffff;
	[tilespmem:v20+s11+$0x0] =	vst.idx.msk $0xffff, v19  }
0x217: {  	v19 =	vld.idx.msk [tilespmem:v22+s11+$0x0], $0xffff;
	_ =	sdelay $0x1  }
0x218: {  	v21 =	vor.u32 $0x100, v20;
	_ =	sdelay $0x2  }
0x219: {  	v19 =	vsel vm1, v19, v16  }
0x21a: {  	[tilespmem:v22+s11+$0x0] =	vst.idx.msk $0xffff, v19  }
0x21b: {  	v19 =	vld.idx.msk [tilespmem:v21+s11+$0x0], $0xffff;
	_ =	sdelay $0x1  }
0x21c: {  	v20 =	vor.u32 $0x180, v20;
	_ =	sdelay $0x2  }
0x21d: {  	s31 =	simm.s32 $0x10;
	v19 =	vsel vm1, v19, v15  }
0x21e: {  	[tilespmem:v21+s11+$0x0] =	vst.idx.msk $0xffff, v19;
	v19 =	vmov s31  }
0x21f: {  	v21 =	vor.u32 s31, v0;
	v22 =	vld.idx.msk [tilespmem:v20+s11+$0x0], $0xffff;
	v19 =	vshll.u32 v19, $0x2  }
0x220: {  	v23 =	vand.u32 $0x7F, v21;
	v19 =	vand.u32 $0x600, v19  }
0x221: {  	v19 =	vor.u32 v23, v19;
	_ =	sdelay $0x2  }
0x222: {  	s17 =	simm.s32 $0x20;
	v22 =	vsel vm1, v22, v14  }
.LBB2_23:
0x223: {  	p0 =	sne.s32 s17, $0x140;
	[tilespmem:v20+s11+$0x0] =	vst.idx.msk $0xffff, v22;
	s18 =	smov.u32 s17;
	s17 =	sadd.s32 $0x10, s17  }
0x224: {  	v20 =	vld.idx.msk [tilespmem:v19+s11+$0x0], $0xffff;
	_ =	sdelay $0x2  }
0x225: {  	v22 =	vor.u32 $0x80, v19;
	_ =	sdelay $0x1  }
0x226: {  	vm1 =	vlt.s32 v21, v18  }
0x227: {  	v20 =	vsel vm1, v20, v17  }
0x228: {  	[tilespmem:v19+s11+$0x0] =	vst.idx.msk $0xffff, v20  }
0x229: {  	v20 =	vld.idx.msk [tilespmem:v22+s11+$0x0], $0xffff;
	_ =	sdelay $0x2  }
0x22a: {  	v21 =	vor.u32 $0x100, v19;
	_ =	sdelay $0x2  }
0x22b: {  	v20 =	vsel vm1, v20, v16  }
0x22c: {  	[tilespmem:v22+s11+$0x0] =	vst.idx.msk $0xffff, v20  }
0x22d: {  	v22 =	vld.idx.msk [tilespmem:v21+s11+$0x0], $0xffff;
	_ =	sdelay $0x2  }
0x22e: {  	v20 =	vor.u32 $0x180, v19;
	_ =	sdelay $0x2  }
0x22f: {  	v19 =	vsel vm1, v22, v15  }
0x230: {  	[tilespmem:v21+s11+$0x0] =	vst.idx.msk $0xffff, v19  }
0x231: {  	v19 =	vmov s18;
	v22 =	vld.idx.msk [tilespmem:v20+s11+$0x0], $0xffff  }
0x232: {  	v21 =	vor.u32 s18, v0;
	v19 =	vshll.u32 v19, $0x2  }
.Ltmp16:
0x233: {  	v23 =	vand.u32 $0x7F, v21;
	v19 =	vand.u32 $0x600, v19;
	(pc) =	sbr.rel @p0 .LBB2_23-.Ltmp16, $2  }
0x234: {  	v19 =	vor.u32 v23, v19;
	_ =	sdelay $0x2  }
0x235: {  	v22 =	vsel vm1, v22, v14  }
0x236: {  	_ =	sdelay $0x3  }
0x237: {  	[tilespmem:v20+s11+$0x0] =	vst.idx.msk $0xffff, v22  }
0x238: {  	v20 =	vld.idx.msk [tilespmem:v19+s11+$0x0], $0xffff;
	_ =	sdelay $0x1  }
0x239: {  	v61 =	vor.u32 $0x80, v19;
	_ =	sdelay $0x1  }
0x23a: {  	vm1 =	vlt.s32 v21, v18  }
0x23b: {  	v17 =	vsel vm1, v20, v17  }
0x23c: {  	[tilespmem:v19+s11+$0x0] =	vst.idx.msk $0xffff, v17  }
0x23d: {  	v17 =	vld.idx.msk [tilespmem:v61+s11+$0x0], $0xffff;
	_ =	sdelay $0x1  }
0x23e: {  	v62 =	vor.u32 $0x100, v19;
	_ =	sdelay $0x2  }
0x23f: {  	v16 =	vsel vm1, v17, v16  }
0x240: {  	[tilespmem:v61+s11+$0x0] =	vst.idx.msk $0xffff, v16  }
0x241: {  	v16 =	vld.idx.msk [tilespmem:v62+s11+$0x0], $0xffff;
	_ =	sdelay $0x1  }
0x242: {  	v63 =	vor.u32 $0x180, v19;
	_ =	sdelay $0x2  }
0x243: {  	v15 =	vsel vm1, v16, v15  }
0x244: {  	[tilespmem:v62+s11+$0x0] =	vst.idx.msk $0xffff, v15  }
0x245: {  	v15 =	vld.idx.msk [tilespmem:v63+s11+$0x0], $0xffff;
	_ =	sdelay $0x3  }
0x246: {  	s16 =	sadd.s32 $0x1, s16  }
0x247: {  	p0 =	sne.s32 s16, s5;
	v14 =	vsel vm1, v15, v14  }
.Ltmp17:
0x248: {  	[tilespmem:v63+s11+$0x0] =	vst.idx.msk $0xffff, v14;
	(pc) =	sbr.rel @p0 .LBB2_2-.Ltmp17, $4  }
0x249: {  	[hbm4b:s4+s6] =	stream.linear.scatter [tilespmem:s11], [sflag:$0x2], $0x600, $0x38;
	[tilespmem:$0x19900] =	vst v63  }
0x24a: {  	_ =	swait.ge [sflag:s8], $0x600  }
0x24b: {  	[sflag:s8] =	ssyncset.done $0x0  }
0x24c: {  	[sflag:s8] =	ssyncadd.s32 $0xFFFFFA00  }
.LBB2_25:
0x24d: {  	_ =	sfence.sel $0x180000  }
0x24e: {  	[bflag:$0x0] =	sbarrier.arrive $0xFFFF  }
0x24f: {  	p0 =	sne.s32 s0, $0x0;
	_ =	strace $0x90000047  }
0x250: {  	s0 =	sadd.s32 @!p0 $0x100000, s1;
	[bflag:$0x2] =	sbarrier.arrive $0xFFFF  }
0x251: {  	[sflag:s0] =	ssyncadd.tile.s32 @!p0 $0x1;
	_ =	shalt  }
.Lfunc_end2:
_tile_overlayer_lowered:
.L_overlay_start_2:
0x252: {  	(tag) =	ssettag $0x2  }
0x253: {  	s0 =	rddreg [dreg:$0x0];
	s2 =	stileid.u32  }
0x254: {  	s1 =	rddreg [dreg:$0x1];
	p0 =	sne.s32 s2, $0x0  }
0x255: {  	s3 =	rddreg [dreg:$0x2];
	[bflag:$0x3] =	sbarrier.arrive $0xFFFF;
	s2 =	simm.s32 @!p0 $0x1C02  }
0x256: {  	[timem:s3], [sflag:s2] =	dma.local @!p0 [hbm:s0], s1  }
0x257: {  	s0 =	simm.s32 @!p0 $0x2  }
0x258: {  	_ =	swait.ge @!p0 [sflag:s0], s1  }
0x259: {  	s1 =	ssub.s32 @!p0 $0x0, s1;
	[sflag:s0] =	ssyncset.done @!p0 $0x0  }
0x25a: {  	[sflag:s0] =	ssyncadd.s32 @!p0 s1  }
0x25b: {  	[bflag:$0x3] =	sbarrier.arrive $0xFFFF  }
0x25c: {  	_ =	shalt  }

</sc_bundles>
